<compile_context>
chip_gen: v7x
topology: tpu7x:2x2x1
jax: 0.10.2.dev20260603
libtpu: 0.0.44.dev20260713+nightly
codegen_flags: <defaults>
</compile_context>

<pallas_src>
import functools

import jax
import jax.numpy as jnp
from jax import lax
from jax.experimental import pallas as pl
from jax.experimental.pallas import tpu as pltpu
from jax.experimental.pallas import tpu_sc as plsc

S, D, T = 8192, 768, 8
RBLK = 512
NRB = S // RBLK
MBLK = 512
NMB = S // MBLK + T
BPT = S // MBLK
TRASH = T * BPT
XROWS = (T * BPT + 1) * MBLK
NW = 32
TPW = S // NW
CH = 128
NCH = TPW // CH



def _route_body(x_ref, sig_ref, dst_ref, cnt_ref, acc_ref):
    i = pl.program_id(0)

    @pl.when(i == 0)
    def _():
        acc_ref[...] = jnp.zeros((T, RBLK), jnp.float32)

    xb = x_ref[...]
    signs = jnp.sign(sig_ref[...])
    scores = lax.dot_general(xb, signs, (((1,), (1,)), ((), ())))
    m = jnp.max(scores, axis=1, keepdims=True)
    it = lax.broadcasted_iota(jnp.int32, (RBLK, T), 1)
    idx_i = jnp.min(jnp.where(scores == m, it, T), axis=1, keepdims=True)
    onehot = (it == idx_i).astype(jnp.float32)

    r = lax.broadcasted_iota(jnp.int32, (RBLK, RBLK), 0)
    c = lax.broadcasted_iota(jnp.int32, (RBLK, RBLK), 1)
    eye = (r == c).astype(jnp.float32)
    ltri = (r > c).astype(jnp.float32)
    oh_t = lax.dot_general(onehot, eye, (((0,), (0,)), ((), ())))
    within = lax.dot_general(oh_t, ltri, (((1,), (1,)), ((), ())))
    treg = lax.broadcasted_iota(jnp.int32, (T, RBLK), 0).astype(jnp.float32) * float(S)
    slot_t = within + acc_ref[...] + treg
    dst_f = jnp.sum(oh_t * slot_t, axis=0, keepdims=True)

    cs = jnp.sum(oh_t, axis=1, keepdims=True)
    acc_ref[...] = acc_ref[...] + jnp.broadcast_to(cs, (T, RBLK))

    dst_ref[...] = dst_f.astype(jnp.int32).reshape(1, RBLK // 128, 128)

    @pl.when(i == NRB - 1)
    def _():
        acc128 = acc_ref[:, :128]
        nb = jnp.ceil(acc128 * (1.0 / MBLK))
        r8 = lax.broadcasted_iota(jnp.int32, (T, T), 0)
        c8 = lax.broadcasted_iota(jnp.int32, (T, T), 1)
        ltri8 = (r8 > c8).astype(jnp.float32)
        start = lax.dot_general(ltri8, nb, (((1,), (0,)), ((), ())))
        total = jnp.sum(nb, axis=0, keepdims=True)
        ids = lax.broadcasted_iota(jnp.int32, (1, 128), 1).astype(jnp.float32)
        ge = (ids >= start).astype(jnp.float32)
        t_i = jnp.clip(jnp.sum(ge, axis=0, keepdims=True) - 1.0, 0.0, float(T - 1))
        r0 = lax.broadcasted_iota(jnp.int32, (T, 128), 0).astype(jnp.float32)
        oh8 = (r0 == t_i).astype(jnp.float32)
        start_sel = jnp.sum(oh8 * start, axis=0, keepdims=True)
        off = ids - start_sel
        live = ids < total
        sb_v = jnp.where(live, t_i * float(BPT) + off, float(TRASH))
        bt_v = jnp.where(live, t_i, 0.0)
        ri = lax.broadcasted_iota(jnp.int32, (T, 128), 0)
        sbbt = jnp.where(
            ri == 0,
            jnp.broadcast_to(sb_v, (T, 128)),
            jnp.where(ri == 1, jnp.broadcast_to(bt_v, (T, 128)), 0.0),
        )
        cnt_ref[...] = sbbt.astype(jnp.int32)


def _route(x2, tile_sigs):
    return pl.pallas_call(
        _route_body,
        grid=(NRB,),
        in_specs=[
            pl.BlockSpec((RBLK, D), lambda i: (i, 0)),
            pl.BlockSpec((T, D), lambda i: (0, 0)),
        ],
        out_specs=[
            pl.BlockSpec((1, RBLK // 128, 128), lambda i: (i, 0, 0)),
            pl.BlockSpec((T, 128), lambda i: (0, 0)),
        ],
        out_shape=[
            jax.ShapeDtypeStruct((NRB, RBLK // 128, 128), jnp.int32),
            jax.ShapeDtypeStruct((T, 128), jnp.int32),
        ],
        scratch_shapes=[pltpu.VMEM((T, RBLK), jnp.float32)],
    )(x2, tile_sigs)



def _make_dispatch():
    mesh = plsc.VectorSubcoreMesh(core_axis_name="c", subcore_axis_name="s")

    @functools.partial(
        pl.kernel,
        mesh=mesh,
        out_type=jax.ShapeDtypeStruct((XROWS, D), jnp.float32),
        scratch_types=[
            pltpu.VMEM((CH,), jnp.int32),
            pltpu.VMEM((CH, D), jnp.float32),
            pltpu.SemaphoreType.DMA,
        ],
    )
    def dispatch(x_hbm, dst_hbm, xs_hbm, dst_v, rows_v, sem):
        wid = lax.axis_index("c") * 16 + lax.axis_index("s")
        for ch in range(NCH):
            q = wid * NCH + ch
            pltpu.sync_copy(dst_hbm.at[q >> 2, q & 3], dst_v)
            row0 = wid * TPW + ch * CH
            pltpu.sync_copy(x_hbm.at[pl.ds(row0, CH)], rows_v)
            pltpu.async_copy(rows_v, xs_hbm.at[dst_v], sem).wait()

    return dispatch



def _gmm_body(sb_ref, bt_ref, xs_ref, w_ref, b_ref, o_ref):
    del sb_ref
    i = pl.program_id(0)
    t = bt_ref[i]
    xb = xs_ref[...]
    y = lax.dot_general(xb, w_ref[t], (((1,), (1,)), ((), ())))
    o_ref[...] = y + b_ref[t]


def _gmm(sb, bt, xs, Ws, bs):
    grid_spec = pltpu.PrefetchScalarGridSpec(
        num_scalar_prefetch=2,
        grid=(NMB,),
        in_specs=[
            pl.BlockSpec((MBLK, D), lambda i, sb, bt: (sb[i], 0)),
            pl.BlockSpec((T, D, D), lambda i, sb, bt: (0, 0, 0)),
            pl.BlockSpec((T, 1, D), lambda i, sb, bt: (0, 0, 0)),
        ],
        out_specs=pl.BlockSpec((MBLK, D), lambda i, sb, bt: (sb[i], 0)),
    )
    return pl.pallas_call(
        _gmm_body,
        grid_spec=grid_spec,
        out_shape=jax.ShapeDtypeStruct((XROWS, D), jnp.float32),
    )(sb, bt, xs, Ws, bs.reshape(T, 1, D))



def _make_combine():
    mesh = plsc.VectorSubcoreMesh(core_axis_name="c", subcore_axis_name="s")

    @functools.partial(
        pl.kernel,
        mesh=mesh,
        out_type=jax.ShapeDtypeStruct((S, D), jnp.float32),
        scratch_types=[
            pltpu.VMEM((CH,), jnp.int32),
            pltpu.VMEM((CH, D), jnp.float32),
            pltpu.SemaphoreType.DMA,
        ],
    )
    def combine(ys_hbm, dst_hbm, out_hbm, dst_v, rows_v, sem):
        wid = lax.axis_index("c") * 16 + lax.axis_index("s")
        for ch in range(NCH):
            q = wid * NCH + ch
            pltpu.sync_copy(dst_hbm.at[q >> 2, q & 3], dst_v)
            pltpu.async_copy(ys_hbm.at[dst_v], rows_v, sem).wait()
            row0 = wid * TPW + ch * CH
            pltpu.sync_copy(rows_v, out_hbm.at[pl.ds(row0, CH)])

    return combine



def kernel(x, tile_sigs, Ws, bs):
    b, s, d = x.shape
    x2 = x.reshape(s, d)

    dst3, sbbt = _route(x2, tile_sigs)

    xs = _make_dispatch()(x2, dst3)

    sb = sbbt[0, :NMB]
    bt = sbbt[1, :NMB]
    ys = _gmm(sb, bt, xs, Ws, bs)
    out2 = _make_combine()(ys, dst3)
    return out2.reshape(b, s, d)

# --- scband reference (transcript-rebuilt; emitter-appended) ---
"""Pipeline reference for scband-content-only-router-51934744543482 (READ-ONLY COPY).

The authoritative reference and input builder live on the scoring server;
editing this copy changes nothing except your own understanding.
"""

import jax, jax.numpy as jnp
import numpy as np

B = 1
S = 8192
D = 768
T = 8

def setup_inputs(seed: int = 0) -> dict:
    key = jax.random.key(seed)
    k1, k2, k3, k4 = jax.random.split(key, 4)
    x = jax.random.normal(k1, (B, S, D), dtype=jnp.float32)
    # nn.Parameter(torch.randn(num_tiles, d_content))
    tile_sigs = jax.random.normal(k2, (T, D), dtype=jnp.float32)
    # per-tile nn.Linear(d_content, d_content): weight [out, in], bias [out]
    Ws = jax.random.normal(k3, (T, D, D), dtype=jnp.float32) * (1.0 / np.sqrt(D))
    bs = jax.random.normal(k4, (T, D), dtype=jnp.float32) * (1.0 / np.sqrt(D))
    return {"x": x, "tile_sigs": tile_sigs, "Ws": Ws, "bs": bs}

def reference(x, tile_sigs, Ws, bs):
    # scores = einsum('bsd,td->bst', x, tile_sigs.sign())
    scores = jnp.einsum('bsd,td->bst', x, jnp.sign(tile_sigs))
    # indices = scores.argmax(dim=-1)  -> [B, S]
    indices = jnp.argmax(scores, axis=-1)
    # per-token selected Linear: output[b, s] = transforms[idx](x[b, s])
    # vectorized: compute all tile outputs then select via one-hot gather
    # torch Linear: y = x @ W.T + b  -> einsum over Ws[t, o, d]
    all_out = jnp.einsum('bsd,tod->bsto', x, Ws) + bs[None, None, :, :]
    onehot = jax.nn.one_hot(indices, T, dtype=x.dtype)
    output = jnp.einsum('bsto,bst->bso', all_out, onehot)
    return output

if __name__ == "__main__":
    import jax
    _d = setup_inputs()
    print(jax.jit(kernel)(*tuple(_d.values())))

</pallas_src>

<mosaic_0001>
#map = affine_map<(d0, d1) -> (0, 0)>
#map1 = affine_map<(d0, d1) -> (0, 0, 0)>
module attributes {stable_mosaic.version = 14 : i64} {
  func.func @dispatch(%arg0: i32, %arg1: i32, %arg2: memref<8192x768xf32, #tpu.memory_space<hbm>>, %arg3: memref<16x4x128xi32, #tpu.memory_space<hbm>>, %arg4: memref<66048x768xf32, #tpu.memory_space<hbm>>, %arg5: memref<128xi32, #tpu.memory_space<vmem>>, %arg6: memref<128x768xf32, #tpu.memory_space<vmem>>, %arg7: memref<!tpu.dma_semaphore, #tpu.memory_space<semaphore_mem>>) attributes {dimension_semantics = [#tpu.dimension_semantics<core_parallel>, #tpu.dimension_semantics<subcore_parallel>], iteration_bounds = array<i64: 2, 16>, scalar_prefetch = 0 : i64, scratch_operands = 3 : i64, tpu.core_type = #tpu.core_type<sc_vector_subcore>, window_params = [{transform_indices = #map}, {transform_indices = #map1}, {transform_indices = #map}]} {
    %mul3A = arith.constant 16 : i32
    %mul3A_0 = arith.muli %arg0, %mul3A : i32
    %add3A = arith.addi %mul3A_0, %arg1 : i32
    %mul3A_1 = arith.constant 2 : i32
    %mul3A_2 = arith.muli %add3A, %mul3A_1 : i32
    %add3A_3 = arith.constant 0 : i32
    %add3A_4 = arith.addi %mul3A_2, %add3A_3 : i32
    %shift_right_arithmetic3A = arith.constant 2 : i32
    %shift_right_arithmetic3A_5 = arith.shrsi %add3A_4, %shift_right_arithmetic3A : i32
    %and3A = arith.constant 3 : i32
    %and3A_6 = arith.andi %add3A_4, %and3A : i32
    "tpu.region"() ({
      %run_scoped3A = tpu.sem_alloc : memref<!tpu.dma_semaphore, #tpu.memory_space<semaphore_mem>>
      %dma_start3A_33 = arith.constant 0 : i32
      %dma_start3A_34 = tpu.memref_slice %arg3[%shift_right_arithmetic3A_5, %and3A_6, %dma_start3A_33] : memref<16x4x128xi32, #tpu.memory_space<hbm>> -> memref<1x1x128xi32, #tpu.memory_space<hbm>>
      %dma_start3A_35 = tpu.memref_squeeze %dma_start3A_34 : memref<1x1x128xi32, #tpu.memory_space<hbm>> -> memref<128xi32, #tpu.memory_space<hbm>>
      %dma_start3A_36 = arith.constant 0 : i32
      %dma_start3A_37 = tpu.memref_slice %arg3[%shift_right_arithmetic3A_5, %and3A_6, %dma_start3A_36] : memref<16x4x128xi32, #tpu.memory_space<hbm>> -> memref<1x1x128xi32, #tpu.memory_space<hbm>>
      %dma_start3A_38 = tpu.memref_squeeze %dma_start3A_37 : memref<1x1x128xi32, #tpu.memory_space<hbm>> -> memref<128xi32, #tpu.memory_space<hbm>>
      tpu.enqueue_dma source(%dma_start3A_38 : memref<128xi32, #tpu.memory_space<hbm>>) target(%arg5 : memref<128xi32, #tpu.memory_space<vmem>>) target_semaphore(%run_scoped3A : memref<!tpu.dma_semaphore, #tpu.memory_space<semaphore_mem>>)
      %dma_wait3A_39 = arith.constant 0 : i32
      %dma_wait3A_40 = tpu.memref_slice %arg3[%shift_right_arithmetic3A_5, %and3A_6, %dma_wait3A_39] : memref<16x4x128xi32, #tpu.memory_space<hbm>> -> memref<1x1x128xi32, #tpu.memory_space<hbm>>
      %dma_wait3A_41 = tpu.memref_squeeze %dma_wait3A_40 : memref<1x1x128xi32, #tpu.memory_space<hbm>> -> memref<128xi32, #tpu.memory_space<hbm>>
      %dma_wait3A_42 = arith.constant 0 : i32
      %dma_wait3A_43 = tpu.memref_slice %arg3[%shift_right_arithmetic3A_5, %and3A_6, %dma_wait3A_42] : memref<16x4x128xi32, #tpu.memory_space<hbm>> -> memref<1x1x128xi32, #tpu.memory_space<hbm>>
      %dma_wait3A_44 = tpu.memref_squeeze %dma_wait3A_43 : memref<1x1x128xi32, #tpu.memory_space<hbm>> -> memref<128xi32, #tpu.memory_space<hbm>>
      tpu.wait_dma2 semaphore(%run_scoped3A : memref<!tpu.dma_semaphore, #tpu.memory_space<semaphore_mem>>) src(%dma_wait3A_44 : memref<128xi32, #tpu.memory_space<hbm>>) dst(%arg5 : memref<128xi32, #tpu.memory_space<vmem>>)
      tpu.yield
    }) : () -> ()
    %mul3A_7 = arith.constant 256 : i32
    %mul3A_8 = arith.muli %add3A, %mul3A_7 : i32
    %add3A_9 = arith.constant 0 : i32
    %add3A_10 = arith.addi %mul3A_8, %add3A_9 : i32
    "tpu.region"() ({
      %run_scoped3A = tpu.sem_alloc : memref<!tpu.dma_semaphore, #tpu.memory_space<semaphore_mem>>
      %dma_start3A_33 = arith.constant 0 : i32
      %dma_start3A_34 = tpu.memref_slice %arg2[%add3A_10, %dma_start3A_33] : memref<8192x768xf32, #tpu.memory_space<hbm>> -> memref<128x768xf32, #tpu.memory_space<hbm>>
      %dma_start3A_35 = arith.constant 0 : i32
      %dma_start3A_36 = tpu.memref_slice %arg2[%add3A_10, %dma_start3A_35] : memref<8192x768xf32, #tpu.memory_space<hbm>> -> memref<128x768xf32, #tpu.memory_space<hbm>>
      tpu.enqueue_dma source(%dma_start3A_36 : memref<128x768xf32, #tpu.memory_space<hbm>>) target(%arg6 : memref<128x768xf32, #tpu.memory_space<vmem>>) target_semaphore(%run_scoped3A : memref<!tpu.dma_semaphore, #tpu.memory_space<semaphore_mem>>)
      %dma_wait3A_37 = arith.constant 0 : i32
      %dma_wait3A_38 = tpu.memref_slice %arg2[%add3A_10, %dma_wait3A_37] : memref<8192x768xf32, #tpu.memory_space<hbm>> -> memref<128x768xf32, #tpu.memory_space<hbm>>
      %dma_wait3A_39 = arith.constant 0 : i32
      %dma_wait3A_40 = tpu.memref_slice %arg2[%add3A_10, %dma_wait3A_39] : memref<8192x768xf32, #tpu.memory_space<hbm>> -> memref<128x768xf32, #tpu.memory_space<hbm>>
      tpu.wait_dma2 semaphore(%run_scoped3A : memref<!tpu.dma_semaphore, #tpu.memory_space<semaphore_mem>>) src(%dma_wait3A_40 : memref<128x768xf32, #tpu.memory_space<hbm>>) dst(%arg6 : memref<128x768xf32, #tpu.memory_space<vmem>>)
      tpu.yield
    }) : () -> ()
    %dma_start3A = arith.constant 0 : i32
    %dma_start3A_11 = arith.constant 0 : i32
    %dma_start3A_12 = tpu.memref_slice %arg4[%dma_start3A, %dma_start3A_11] : memref<66048x768xf32, #tpu.memory_space<hbm>> -> memref<66048x768xf32, #tpu.memory_space<hbm>>
    tpu.enqueue_indirect_dma source(%arg6 : memref<128x768xf32, #tpu.memory_space<vmem>>) target(%dma_start3A_12 : memref<66048x768xf32, #tpu.memory_space<hbm>>) offsets(%arg5 : memref<128xi32, #tpu.memory_space<vmem>>) semaphore(%arg7 : memref<!tpu.dma_semaphore, #tpu.memory_space<semaphore_mem>>)
    %dma_wait3A = arith.constant 0 : i32
    %dma_wait3A_13 = arith.constant 0 : i32
    %dma_wait3A_14 = tpu.memref_slice %arg4[%dma_wait3A, %dma_wait3A_13] : memref<66048x768xf32, #tpu.memory_space<hbm>> -> memref<66048x768xf32, #tpu.memory_space<hbm>>
    tpu.wait_indirect_dma semaphore(%arg7 : memref<!tpu.dma_semaphore, #tpu.memory_space<semaphore_mem>>) src(%arg6 : memref<128x768xf32, #tpu.memory_space<vmem>>) dst(%dma_wait3A_14 : memref<66048x768xf32, #tpu.memory_space<hbm>>)
    %mul3A_15 = arith.constant 2 : i32
    %mul3A_16 = arith.muli %add3A, %mul3A_15 : i32
    %add3A_17 = arith.constant 1 : i32
    %add3A_18 = arith.addi %mul3A_16, %add3A_17 : i32
    %shift_right_arithmetic3A_19 = arith.constant 2 : i32
    %shift_right_arithmetic3A_20 = arith.shrsi %add3A_18, %shift_right_arithmetic3A_19 : i32
    %and3A_21 = arith.constant 3 : i32
    %and3A_22 = arith.andi %add3A_18, %and3A_21 : i32
    "tpu.region"() ({
      %run_scoped3A = tpu.sem_alloc : memref<!tpu.dma_semaphore, #tpu.memory_space<semaphore_mem>>
      %dma_start3A_33 = arith.constant 0 : i32
      %dma_start3A_34 = tpu.memref_slice %arg3[%shift_right_arithmetic3A_20, %and3A_22, %dma_start3A_33] : memref<16x4x128xi32, #tpu.memory_space<hbm>> -> memref<1x1x128xi32, #tpu.memory_space<hbm>>
      %dma_start3A_35 = tpu.memref_squeeze %dma_start3A_34 : memref<1x1x128xi32, #tpu.memory_space<hbm>> -> memref<128xi32, #tpu.memory_space<hbm>>
      %dma_start3A_36 = arith.constant 0 : i32
      %dma_start3A_37 = tpu.memref_slice %arg3[%shift_right_arithmetic3A_20, %and3A_22, %dma_start3A_36] : memref<16x4x128xi32, #tpu.memory_space<hbm>> -> memref<1x1x128xi32, #tpu.memory_space<hbm>>
      %dma_start3A_38 = tpu.memref_squeeze %dma_start3A_37 : memref<1x1x128xi32, #tpu.memory_space<hbm>> -> memref<128xi32, #tpu.memory_space<hbm>>
      tpu.enqueue_dma source(%dma_start3A_38 : memref<128xi32, #tpu.memory_space<hbm>>) target(%arg5 : memref<128xi32, #tpu.memory_space<vmem>>) target_semaphore(%run_scoped3A : memref<!tpu.dma_semaphore, #tpu.memory_space<semaphore_mem>>)
      %dma_wait3A_39 = arith.constant 0 : i32
      %dma_wait3A_40 = tpu.memref_slice %arg3[%shift_right_arithmetic3A_20, %and3A_22, %dma_wait3A_39] : memref<16x4x128xi32, #tpu.memory_space<hbm>> -> memref<1x1x128xi32, #tpu.memory_space<hbm>>
      %dma_wait3A_41 = tpu.memref_squeeze %dma_wait3A_40 : memref<1x1x128xi32, #tpu.memory_space<hbm>> -> memref<128xi32, #tpu.memory_space<hbm>>
      %dma_wait3A_42 = arith.constant 0 : i32
      %dma_wait3A_43 = tpu.memref_slice %arg3[%shift_right_arithmetic3A_20, %and3A_22, %dma_wait3A_42] : memref<16x4x128xi32, #tpu.memory_space<hbm>> -> memref<1x1x128xi32, #tpu.memory_space<hbm>>
      %dma_wait3A_44 = tpu.memref_squeeze %dma_wait3A_43 : memref<1x1x128xi32, #tpu.memory_space<hbm>> -> memref<128xi32, #tpu.memory_space<hbm>>
      tpu.wait_dma2 semaphore(%run_scoped3A : memref<!tpu.dma_semaphore, #tpu.memory_space<semaphore_mem>>) src(%dma_wait3A_44 : memref<128xi32, #tpu.memory_space<hbm>>) dst(%arg5 : memref<128xi32, #tpu.memory_space<vmem>>)
      tpu.yield
    }) : () -> ()
    %mul3A_23 = arith.constant 256 : i32
    %mul3A_24 = arith.muli %add3A, %mul3A_23 : i32
    %add3A_25 = arith.constant 128 : i32
    %add3A_26 = arith.addi %mul3A_24, %add3A_25 : i32
    "tpu.region"() ({
      %run_scoped3A = tpu.sem_alloc : memref<!tpu.dma_semaphore, #tpu.memory_space<semaphore_mem>>
      %dma_start3A_33 = arith.constant 0 : i32
      %dma_start3A_34 = tpu.memref_slice %arg2[%add3A_26, %dma_start3A_33] : memref<8192x768xf32, #tpu.memory_space<hbm>> -> memref<128x768xf32, #tpu.memory_space<hbm>>
      %dma_start3A_35 = arith.constant 0 : i32
      %dma_start3A_36 = tpu.memref_slice %arg2[%add3A_26, %dma_start3A_35] : memref<8192x768xf32, #tpu.memory_space<hbm>> -> memref<128x768xf32, #tpu.memory_space<hbm>>
      tpu.enqueue_dma source(%dma_start3A_36 : memref<128x768xf32, #tpu.memory_space<hbm>>) target(%arg6 : memref<128x768xf32, #tpu.memory_space<vmem>>) target_semaphore(%run_scoped3A : memref<!tpu.dma_semaphore, #tpu.memory_space<semaphore_mem>>)
      %dma_wait3A_37 = arith.constant 0 : i32
      %dma_wait3A_38 = tpu.memref_slice %arg2[%add3A_26, %dma_wait3A_37] : memref<8192x768xf32, #tpu.memory_space<hbm>> -> memref<128x768xf32, #tpu.memory_space<hbm>>
      %dma_wait3A_39 = arith.constant 0 : i32
      %dma_wait3A_40 = tpu.memref_slice %arg2[%add3A_26, %dma_wait3A_39] : memref<8192x768xf32, #tpu.memory_space<hbm>> -> memref<128x768xf32, #tpu.memory_space<hbm>>
      tpu.wait_dma2 semaphore(%run_scoped3A : memref<!tpu.dma_semaphore, #tpu.memory_space<semaphore_mem>>) src(%dma_wait3A_40 : memref<128x768xf32, #tpu.memory_space<hbm>>) dst(%arg6 : memref<128x768xf32, #tpu.memory_space<vmem>>)
      tpu.yield
    }) : () -> ()
    %dma_start3A_27 = arith.constant 0 : i32
    %dma_start3A_28 = arith.constant 0 : i32
    %dma_start3A_29 = tpu.memref_slice %arg4[%dma_start3A_27, %dma_start3A_28] : memref<66048x768xf32, #tpu.memory_space<hbm>> -> memref<66048x768xf32, #tpu.memory_space<hbm>>
    tpu.enqueue_indirect_dma source(%arg6 : memref<128x768xf32, #tpu.memory_space<vmem>>) target(%dma_start3A_29 : memref<66048x768xf32, #tpu.memory_space<hbm>>) offsets(%arg5 : memref<128xi32, #tpu.memory_space<vmem>>) semaphore(%arg7 : memref<!tpu.dma_semaphore, #tpu.memory_space<semaphore_mem>>)
    %dma_wait3A_30 = arith.constant 0 : i32
    %dma_wait3A_31 = arith.constant 0 : i32
    %dma_wait3A_32 = tpu.memref_slice %arg4[%dma_wait3A_30, %dma_wait3A_31] : memref<66048x768xf32, #tpu.memory_space<hbm>> -> memref<66048x768xf32, #tpu.memory_space<hbm>>
    tpu.wait_indirect_dma semaphore(%arg7 : memref<!tpu.dma_semaphore, #tpu.memory_space<semaphore_mem>>) src(%arg6 : memref<128x768xf32, #tpu.memory_space<vmem>>) dst(%dma_wait3A_32 : memref<66048x768xf32, #tpu.memory_space<hbm>>)
    return
  }
}

#map = affine_map<(d0, d1) -> (0, 0)>
#map1 = affine_map<(d0, d1) -> (0, 0, 0)>
module attributes {stable_mosaic.version = 14 : i64} {
  func.func @combine(%arg0: i32, %arg1: i32, %arg2: memref<66048x768xf32, #tpu.memory_space<hbm>>, %arg3: memref<16x4x128xi32, #tpu.memory_space<hbm>>, %arg4: memref<8192x768xf32, #tpu.memory_space<hbm>>, %arg5: memref<128xi32, #tpu.memory_space<vmem>>, %arg6: memref<128x768xf32, #tpu.memory_space<vmem>>, %arg7: memref<!tpu.dma_semaphore, #tpu.memory_space<semaphore_mem>>) attributes {dimension_semantics = [#tpu.dimension_semantics<core_parallel>, #tpu.dimension_semantics<subcore_parallel>], iteration_bounds = array<i64: 2, 16>, scalar_prefetch = 0 : i64, scratch_operands = 3 : i64, tpu.core_type = #tpu.core_type<sc_vector_subcore>, window_params = [{transform_indices = #map}, {transform_indices = #map1}, {transform_indices = #map}]} {
    %mul3A = arith.constant 16 : i32
    %mul3A_0 = arith.muli %arg0, %mul3A : i32
    %add3A = arith.addi %mul3A_0, %arg1 : i32
    %mul3A_1 = arith.constant 2 : i32
    %mul3A_2 = arith.muli %add3A, %mul3A_1 : i32
    %add3A_3 = arith.constant 0 : i32
    %add3A_4 = arith.addi %mul3A_2, %add3A_3 : i32
    %shift_right_arithmetic3A = arith.constant 2 : i32
    %shift_right_arithmetic3A_5 = arith.shrsi %add3A_4, %shift_right_arithmetic3A : i32
    %and3A = arith.constant 3 : i32
    %and3A_6 = arith.andi %add3A_4, %and3A : i32
    "tpu.region"() ({
      %run_scoped3A = tpu.sem_alloc : memref<!tpu.dma_semaphore, #tpu.memory_space<semaphore_mem>>
      %dma_start3A_33 = arith.constant 0 : i32
      %dma_start3A_34 = tpu.memref_slice %arg3[%shift_right_arithmetic3A_5, %and3A_6, %dma_start3A_33] : memref<16x4x128xi32, #tpu.memory_space<hbm>> -> memref<1x1x128xi32, #tpu.memory_space<hbm>>
      %dma_start3A_35 = tpu.memref_squeeze %dma_start3A_34 : memref<1x1x128xi32, #tpu.memory_space<hbm>> -> memref<128xi32, #tpu.memory_space<hbm>>
      %dma_start3A_36 = arith.constant 0 : i32
      %dma_start3A_37 = tpu.memref_slice %arg3[%shift_right_arithmetic3A_5, %and3A_6, %dma_start3A_36] : memref<16x4x128xi32, #tpu.memory_space<hbm>> -> memref<1x1x128xi32, #tpu.memory_space<hbm>>
      %dma_start3A_38 = tpu.memref_squeeze %dma_start3A_37 : memref<1x1x128xi32, #tpu.memory_space<hbm>> -> memref<128xi32, #tpu.memory_space<hbm>>
      tpu.enqueue_dma source(%dma_start3A_38 : memref<128xi32, #tpu.memory_space<hbm>>) target(%arg5 : memref<128xi32, #tpu.memory_space<vmem>>) target_semaphore(%run_scoped3A : memref<!tpu.dma_semaphore, #tpu.memory_space<semaphore_mem>>)
      %dma_wait3A_39 = arith.constant 0 : i32
      %dma_wait3A_40 = tpu.memref_slice %arg3[%shift_right_arithmetic3A_5, %and3A_6, %dma_wait3A_39] : memref<16x4x128xi32, #tpu.memory_space<hbm>> -> memref<1x1x128xi32, #tpu.memory_space<hbm>>
      %dma_wait3A_41 = tpu.memref_squeeze %dma_wait3A_40 : memref<1x1x128xi32, #tpu.memory_space<hbm>> -> memref<128xi32, #tpu.memory_space<hbm>>
      %dma_wait3A_42 = arith.constant 0 : i32
      %dma_wait3A_43 = tpu.memref_slice %arg3[%shift_right_arithmetic3A_5, %and3A_6, %dma_wait3A_42] : memref<16x4x128xi32, #tpu.memory_space<hbm>> -> memref<1x1x128xi32, #tpu.memory_space<hbm>>
      %dma_wait3A_44 = tpu.memref_squeeze %dma_wait3A_43 : memref<1x1x128xi32, #tpu.memory_space<hbm>> -> memref<128xi32, #tpu.memory_space<hbm>>
      tpu.wait_dma2 semaphore(%run_scoped3A : memref<!tpu.dma_semaphore, #tpu.memory_space<semaphore_mem>>) src(%dma_wait3A_44 : memref<128xi32, #tpu.memory_space<hbm>>) dst(%arg5 : memref<128xi32, #tpu.memory_space<vmem>>)
      tpu.yield
    }) : () -> ()
    %dma_start3A = arith.constant 0 : i32
    %dma_start3A_7 = arith.constant 0 : i32
    %dma_start3A_8 = tpu.memref_slice %arg2[%dma_start3A, %dma_start3A_7] : memref<66048x768xf32, #tpu.memory_space<hbm>> -> memref<66048x768xf32, #tpu.memory_space<hbm>>
    tpu.enqueue_indirect_dma source(%dma_start3A_8 : memref<66048x768xf32, #tpu.memory_space<hbm>>) target(%arg6 : memref<128x768xf32, #tpu.memory_space<vmem>>) offsets(%arg5 : memref<128xi32, #tpu.memory_space<vmem>>) semaphore(%arg7 : memref<!tpu.dma_semaphore, #tpu.memory_space<semaphore_mem>>)
    %dma_wait3A = arith.constant 0 : i32
    %dma_wait3A_9 = arith.constant 0 : i32
    %dma_wait3A_10 = tpu.memref_slice %arg2[%dma_wait3A, %dma_wait3A_9] : memref<66048x768xf32, #tpu.memory_space<hbm>> -> memref<66048x768xf32, #tpu.memory_space<hbm>>
    tpu.wait_indirect_dma semaphore(%arg7 : memref<!tpu.dma_semaphore, #tpu.memory_space<semaphore_mem>>) src(%dma_wait3A_10 : memref<66048x768xf32, #tpu.memory_space<hbm>>) dst(%arg6 : memref<128x768xf32, #tpu.memory_space<vmem>>)
    %mul3A_11 = arith.constant 256 : i32
    %mul3A_12 = arith.muli %add3A, %mul3A_11 : i32
    %add3A_13 = arith.constant 0 : i32
    %add3A_14 = arith.addi %mul3A_12, %add3A_13 : i32
    "tpu.region"() ({
      %run_scoped3A = tpu.sem_alloc : memref<!tpu.dma_semaphore, #tpu.memory_space<semaphore_mem>>
      %dma_start3A_33 = arith.constant 0 : i32
      %dma_start3A_34 = tpu.memref_slice %arg4[%add3A_14, %dma_start3A_33] : memref<8192x768xf32, #tpu.memory_space<hbm>> -> memref<128x768xf32, #tpu.memory_space<hbm>>
      %dma_start3A_35 = arith.constant 0 : i32
      %dma_start3A_36 = tpu.memref_slice %arg4[%add3A_14, %dma_start3A_35] : memref<8192x768xf32, #tpu.memory_space<hbm>> -> memref<128x768xf32, #tpu.memory_space<hbm>>
      tpu.enqueue_dma source(%arg6 : memref<128x768xf32, #tpu.memory_space<vmem>>) target(%dma_start3A_36 : memref<128x768xf32, #tpu.memory_space<hbm>>) target_semaphore(%run_scoped3A : memref<!tpu.dma_semaphore, #tpu.memory_space<semaphore_mem>>)
      %dma_wait3A_37 = arith.constant 0 : i32
      %dma_wait3A_38 = tpu.memref_slice %arg4[%add3A_14, %dma_wait3A_37] : memref<8192x768xf32, #tpu.memory_space<hbm>> -> memref<128x768xf32, #tpu.memory_space<hbm>>
      %dma_wait3A_39 = arith.constant 0 : i32
      %dma_wait3A_40 = tpu.memref_slice %arg4[%add3A_14, %dma_wait3A_39] : memref<8192x768xf32, #tpu.memory_space<hbm>> -> memref<128x768xf32, #tpu.memory_space<hbm>>
      tpu.wait_dma2 semaphore(%run_scoped3A : memref<!tpu.dma_semaphore, #tpu.memory_space<semaphore_mem>>) src(%arg6 : memref<128x768xf32, #tpu.memory_space<vmem>>) dst(%dma_wait3A_40 : memref<128x768xf32, #tpu.memory_space<hbm>>)
      tpu.yield
    }) : () -> ()
    %mul3A_15 = arith.constant 2 : i32
    %mul3A_16 = arith.muli %add3A, %mul3A_15 : i32
    %add3A_17 = arith.constant 1 : i32
    %add3A_18 = arith.addi %mul3A_16, %add3A_17 : i32
    %shift_right_arithmetic3A_19 = arith.constant 2 : i32
    %shift_right_arithmetic3A_20 = arith.shrsi %add3A_18, %shift_right_arithmetic3A_19 : i32
    %and3A_21 = arith.constant 3 : i32
    %and3A_22 = arith.andi %add3A_18, %and3A_21 : i32
    "tpu.region"() ({
      %run_scoped3A = tpu.sem_alloc : memref<!tpu.dma_semaphore, #tpu.memory_space<semaphore_mem>>
      %dma_start3A_33 = arith.constant 0 : i32
      %dma_start3A_34 = tpu.memref_slice %arg3[%shift_right_arithmetic3A_20, %and3A_22, %dma_start3A_33] : memref<16x4x128xi32, #tpu.memory_space<hbm>> -> memref<1x1x128xi32, #tpu.memory_space<hbm>>
      %dma_start3A_35 = tpu.memref_squeeze %dma_start3A_34 : memref<1x1x128xi32, #tpu.memory_space<hbm>> -> memref<128xi32, #tpu.memory_space<hbm>>
      %dma_start3A_36 = arith.constant 0 : i32
      %dma_start3A_37 = tpu.memref_slice %arg3[%shift_right_arithmetic3A_20, %and3A_22, %dma_start3A_36] : memref<16x4x128xi32, #tpu.memory_space<hbm>> -> memref<1x1x128xi32, #tpu.memory_space<hbm>>
      %dma_start3A_38 = tpu.memref_squeeze %dma_start3A_37 : memref<1x1x128xi32, #tpu.memory_space<hbm>> -> memref<128xi32, #tpu.memory_space<hbm>>
      tpu.enqueue_dma source(%dma_start3A_38 : memref<128xi32, #tpu.memory_space<hbm>>) target(%arg5 : memref<128xi32, #tpu.memory_space<vmem>>) target_semaphore(%run_scoped3A : memref<!tpu.dma_semaphore, #tpu.memory_space<semaphore_mem>>)
      %dma_wait3A_39 = arith.constant 0 : i32
      %dma_wait3A_40 = tpu.memref_slice %arg3[%shift_right_arithmetic3A_20, %and3A_22, %dma_wait3A_39] : memref<16x4x128xi32, #tpu.memory_space<hbm>> -> memref<1x1x128xi32, #tpu.memory_space<hbm>>
      %dma_wait3A_41 = tpu.memref_squeeze %dma_wait3A_40 : memref<1x1x128xi32, #tpu.memory_space<hbm>> -> memref<128xi32, #tpu.memory_space<hbm>>
      %dma_wait3A_42 = arith.constant 0 : i32
      %dma_wait3A_43 = tpu.memref_slice %arg3[%shift_right_arithmetic3A_20, %and3A_22, %dma_wait3A_42] : memref<16x4x128xi32, #tpu.memory_space<hbm>> -> memref<1x1x128xi32, #tpu.memory_space<hbm>>
      %dma_wait3A_44 = tpu.memref_squeeze %dma_wait3A_43 : memref<1x1x128xi32, #tpu.memory_space<hbm>> -> memref<128xi32, #tpu.memory_space<hbm>>
      tpu.wait_dma2 semaphore(%run_scoped3A : memref<!tpu.dma_semaphore, #tpu.memory_space<semaphore_mem>>) src(%dma_wait3A_44 : memref<128xi32, #tpu.memory_space<hbm>>) dst(%arg5 : memref<128xi32, #tpu.memory_space<vmem>>)
      tpu.yield
    }) : () -> ()
    %dma_start3A_23 = arith.constant 0 : i32
    %dma_start3A_24 = arith.constant 0 : i32
    %dma_start3A_25 = tpu.memref_slice %arg2[%dma_start3A_23, %dma_start3A_24] : memref<66048x768xf32, #tpu.memory_space<hbm>> -> memref<66048x768xf32, #tpu.memory_space<hbm>>
    tpu.enqueue_indirect_dma source(%dma_start3A_25 : memref<66048x768xf32, #tpu.memory_space<hbm>>) target(%arg6 : memref<128x768xf32, #tpu.memory_space<vmem>>) offsets(%arg5 : memref<128xi32, #tpu.memory_space<vmem>>) semaphore(%arg7 : memref<!tpu.dma_semaphore, #tpu.memory_space<semaphore_mem>>)
    %dma_wait3A_26 = arith.constant 0 : i32
    %dma_wait3A_27 = arith.constant 0 : i32
    %dma_wait3A_28 = tpu.memref_slice %arg2[%dma_wait3A_26, %dma_wait3A_27] : memref<66048x768xf32, #tpu.memory_space<hbm>> -> memref<66048x768xf32, #tpu.memory_space<hbm>>
    tpu.wait_indirect_dma semaphore(%arg7 : memref<!tpu.dma_semaphore, #tpu.memory_space<semaphore_mem>>) src(%dma_wait3A_28 : memref<66048x768xf32, #tpu.memory_space<hbm>>) dst(%arg6 : memref<128x768xf32, #tpu.memory_space<vmem>>)
    %mul3A_29 = arith.constant 256 : i32
    %mul3A_30 = arith.muli %add3A, %mul3A_29 : i32
    %add3A_31 = arith.constant 128 : i32
    %add3A_32 = arith.addi %mul3A_30, %add3A_31 : i32
    "tpu.region"() ({
      %run_scoped3A = tpu.sem_alloc : memref<!tpu.dma_semaphore, #tpu.memory_space<semaphore_mem>>
      %dma_start3A_33 = arith.constant 0 : i32
      %dma_start3A_34 = tpu.memref_slice %arg4[%add3A_32, %dma_start3A_33] : memref<8192x768xf32, #tpu.memory_space<hbm>> -> memref<128x768xf32, #tpu.memory_space<hbm>>
      %dma_start3A_35 = arith.constant 0 : i32
      %dma_start3A_36 = tpu.memref_slice %arg4[%add3A_32, %dma_start3A_35] : memref<8192x768xf32, #tpu.memory_space<hbm>> -> memref<128x768xf32, #tpu.memory_space<hbm>>
      tpu.enqueue_dma source(%arg6 : memref<128x768xf32, #tpu.memory_space<vmem>>) target(%dma_start3A_36 : memref<128x768xf32, #tpu.memory_space<hbm>>) target_semaphore(%run_scoped3A : memref<!tpu.dma_semaphore, #tpu.memory_space<semaphore_mem>>)
      %dma_wait3A_37 = arith.constant 0 : i32
      %dma_wait3A_38 = tpu.memref_slice %arg4[%add3A_32, %dma_wait3A_37] : memref<8192x768xf32, #tpu.memory_space<hbm>> -> memref<128x768xf32, #tpu.memory_space<hbm>>
      %dma_wait3A_39 = arith.constant 0 : i32
      %dma_wait3A_40 = tpu.memref_slice %arg4[%add3A_32, %dma_wait3A_39] : memref<8192x768xf32, #tpu.memory_space<hbm>> -> memref<128x768xf32, #tpu.memory_space<hbm>>
      tpu.wait_dma2 semaphore(%run_scoped3A : memref<!tpu.dma_semaphore, #tpu.memory_space<semaphore_mem>>) src(%arg6 : memref<128x768xf32, #tpu.memory_space<vmem>>) dst(%dma_wait3A_40 : memref<128x768xf32, #tpu.memory_space<hbm>>)
      tpu.yield
    }) : () -> ()
    return
  }
}

module attributes {stable_mosaic.version = 14 : i64} {
  func.func @_gmm_body(%arg0: i32, %arg1: memref<24xi32, #tpu.memory_space<smem>>, %arg2: memref<24xi32, #tpu.memory_space<smem>>, %arg3: memref<512x768xf32, #tpu.memory_space<vmem>>, %arg4: memref<8x768x768xf32, #tpu.memory_space<vmem>>, %arg5: memref<8x1x768xf32, #tpu.memory_space<vmem>>, %arg6: memref<512x768xf32, #tpu.memory_space<vmem>>) attributes {dimension_semantics = [#tpu.dimension_semantics<arbitrary>], iteration_bounds = array<i64: 24>, scalar_prefetch = 2 : i64, scratch_operands = 0 : i64, tpu.core_type = #tpu.core_type<tc>, window_params = [{transform_indices = @transform_0, window_bounds = array<i64: 512, 768>}, {pipeline_mode = #tpu.pipeline_mode<synchronous>, transform_indices = @transform_1, window_bounds = array<i64: 8, 768, 768>}, {pipeline_mode = #tpu.pipeline_mode<synchronous>, transform_indices = @transform_2, window_bounds = array<i64: 8, 1, 768>}, {transform_indices = @transform_3, window_bounds = array<i64: 512, 768>}]} {
    %get3A = arith.index_cast %arg0 : i32 to index
    %get3A_0 = memref.load %arg2[%get3A] : memref<24xi32, #tpu.memory_space<smem>>
    %get3A_1 = arith.constant 0 : index
    %get3A_2 = arith.constant 0 : index
    %get3A_3 = vector.load %arg3[%get3A_1, %get3A_2] : memref<512x768xf32, #tpu.memory_space<vmem>>, vector<512x768xf32>
    %get3A_4 = arith.index_cast %get3A_0 : i32 to index
    %get3A_5 = arith.constant 0 : index
    %get3A_6 = arith.constant 0 : index
    %get3A_7 = vector.load %arg4[%get3A_4, %get3A_5, %get3A_6] : memref<8x768x768xf32, #tpu.memory_space<vmem>>, vector<1x768x768xf32>
    %get3A_8 = vector.shape_cast %get3A_7 : vector<1x768x768xf32> to vector<768x768xf32>
    %dot_general3A = arith.constant dense<0.000000e+00> : vector<512x768xf32>
    %dot_general3A_9 = tpu.matmul %get3A_3, %get3A_8, %dot_general3A {dimension_numbers = #tpu.dot_dimension_numbers<[1], [1], [0], [0], [0, 0, 1, 0], [], []>, transpose_lhs_hint = false} : vector<512x768xf32>, vector<768x768xf32>, vector<512x768xf32> -> vector<512x768xf32>
    %get3A_10 = arith.index_cast %get3A_0 : i32 to index
    %get3A_11 = arith.constant 0 : index
    %get3A_12 = arith.constant 0 : index
    %get3A_13 = vector.load %arg5[%get3A_10, %get3A_11, %get3A_12] : memref<8x1x768xf32, #tpu.memory_space<vmem>>, vector<1x1x768xf32>
    %get3A_14 = vector.shape_cast %get3A_13 : vector<1x1x768xf32> to vector<1x768xf32>
    %add3A = vector.broadcast %get3A_14 : vector<1x768xf32> to vector<512x768xf32>
    %add3A_15 = arith.addf %dot_general3A_9, %add3A : vector<512x768xf32>
    %swap3A = arith.constant 0 : index
    %swap3A_16 = arith.constant 0 : index
    %swap3A_17 = vector.load %arg6[%swap3A, %swap3A_16] : memref<512x768xf32, #tpu.memory_space<vmem>>, vector<512x768xf32>
    tpu.vector_store %arg6[%swap3A, %swap3A_16], %add3A_15 {strides = array<i32>} : memref<512x768xf32, #tpu.memory_space<vmem>>, vector<512x768xf32>,
    return
  }
  func.func @transform_0(%arg0: i32, %arg1: memref<24xi32, #tpu.memory_space<smem>>, %arg2: memref<24xi32, #tpu.memory_space<smem>>) -> (i32, i32) {
    %get3A = arith.index_cast %arg0 : i32 to index
    %get3A_0 = memref.load %arg1[%get3A] : memref<24xi32, #tpu.memory_space<smem>>
    %c0_i32 = arith.constant 0 : i32
    %c0_i32_1 = arith.constant 0 : i32
    return %get3A_0, %c0_i32 : i32, i32
  }
  func.func @transform_1(%arg0: i32, %arg1: memref<24xi32, #tpu.memory_space<smem>>, %arg2: memref<24xi32, #tpu.memory_space<smem>>) -> (i32, i32, i32) {
    %c0_i32 = arith.constant 0 : i32
    %c0_i32_0 = arith.constant 0 : i32
    %c0_i32_1 = arith.constant 0 : i32
    %c0_i32_2 = arith.constant 0 : i32
    return %c0_i32, %c0_i32_0, %c0_i32_1 : i32, i32, i32
  }
  func.func @transform_2(%arg0: i32, %arg1: memref<24xi32, #tpu.memory_space<smem>>, %arg2: memref<24xi32, #tpu.memory_space<smem>>) -> (i32, i32, i32) {
    %c0_i32 = arith.constant 0 : i32
    %c0_i32_0 = arith.constant 0 : i32
    %c0_i32_1 = arith.constant 0 : i32
    %c0_i32_2 = arith.constant 0 : i32
    return %c0_i32, %c0_i32_0, %c0_i32_1 : i32, i32, i32
  }
  func.func @transform_3(%arg0: i32, %arg1: memref<24xi32, #tpu.memory_space<smem>>, %arg2: memref<24xi32, #tpu.memory_space<smem>>) -> (i32, i32) {
    %get3A = arith.index_cast %arg0 : i32 to index
    %get3A_0 = memref.load %arg1[%get3A] : memref<24xi32, #tpu.memory_space<smem>>
    %c0_i32 = arith.constant 0 : i32
    %c0_i32_1 = arith.constant 0 : i32
    return %get3A_0, %c0_i32 : i32, i32
  }
}

module attributes {stable_mosaic.version = 14 : i64} {
  func.func @_route_body(%arg0: i32, %arg1: memref<512x768xf32, #tpu.memory_space<vmem>>, %arg2: memref<8x768xf32, #tpu.memory_space<vmem>>, %arg3: memref<1x4x128xi32, #tpu.memory_space<vmem>>, %arg4: memref<8x128xi32, #tpu.memory_space<vmem>>, %arg5: memref<8x512xf32, #tpu.memory_space<vmem>>) attributes {dimension_semantics = [#tpu.dimension_semantics<arbitrary>], iteration_bounds = array<i64: 16>, scalar_prefetch = 0 : i64, scratch_operands = 1 : i64, tpu.core_type = #tpu.core_type<tc>, window_params = [{transform_indices = @transform_0, window_bounds = array<i64: 512, 768>}, {pipeline_mode = #tpu.pipeline_mode<synchronous>, transform_indices = @transform_1, window_bounds = array<i64: 8, 768>}, {transform_indices = @transform_2, window_bounds = array<i64: 1, 4, 128>}, {pipeline_mode = #tpu.pipeline_mode<synchronous>, transform_indices = @transform_3, window_bounds = array<i64: 8, 128>}]} {
    %eq3A = arith.constant 0 : i32
    %eq3A_0 = arith.cmpi eq, %arg0, %eq3A : i32
    %convert_element_type3A = arith.extui %eq3A_0 : i1 to i32
    %cond3A = arith.constant 0 : i32
    %cond3A_1 = arith.cmpi ne, %convert_element_type3A, %cond3A : i32
    scf.if %cond3A_1 {
      %broadcast_in_dim3A_73 = arith.constant 0.000000e+00 : f32
      %broadcast_in_dim3A_74 = vector.broadcast %broadcast_in_dim3A_73 : f32 to vector<8x512xf32>
      %swap3A_75 = arith.constant 0 : index
      %swap3A_76 = arith.constant 0 : index
      %swap3A_77 = vector.load %arg5[%swap3A_75, %swap3A_76] : memref<8x512xf32, #tpu.memory_space<vmem>>, vector<8x512xf32>
      tpu.vector_store %arg5[%swap3A_75, %swap3A_76], %broadcast_in_dim3A_74 {strides = array<i32>} : memref<8x512xf32, #tpu.memory_space<vmem>>, vector<8x512xf32>,
    } else {
    }
    %get3A = arith.constant 0 : index
    %get3A_2 = arith.constant 0 : index
    %get3A_3 = vector.load %arg1[%get3A, %get3A_2] : memref<512x768xf32, #tpu.memory_space<vmem>>, vector<512x768xf32>
    %get3A_4 = arith.constant 0 : index
    %get3A_5 = arith.constant 0 : index
    %get3A_6 = vector.load %arg2[%get3A_4, %get3A_5] : memref<8x768xf32, #tpu.memory_space<vmem>>, vector<8x768xf32>
    %sign3A = tpu.bitcast %get3A_6 : vector<8x768xf32> -> vector<8x768xi32>
    %sign3A_7 = arith.constant -2147483648 : i32
    %sign3A_8 = vector.broadcast %sign3A_7 : i32 to vector<8x768xi32>
    %sign3A_9 = arith.andi %sign3A, %sign3A_8 : vector<8x768xi32>
    %sign3A_10 = arith.constant 1065353216 : i32
    %sign3A_11 = vector.broadcast %sign3A_10 : i32 to vector<8x768xi32>
    %sign3A_12 = arith.ori %sign3A_11, %sign3A_9 : vector<8x768xi32>
    %sign3A_13 = tpu.bitcast %sign3A_12 : vector<8x768xi32> -> vector<8x768xf32>
    %sign3A_14 = math.absf %get3A_6 : vector<8x768xf32>
    %sign3A_15 = arith.constant 0.000000e+00 : f32
    %sign3A_16 = vector.broadcast %sign3A_15 : f32 to vector<8x768xf32>
    %sign3A_17 = arith.cmpf ogt, %sign3A_14, %sign3A_16 : vector<8x768xf32>
    %sign3A_18 = arith.select %sign3A_17, %sign3A_13, %get3A_6 : vector<8x768xi1>, vector<8x768xf32>
    %dot_general3A = arith.constant dense<0.000000e+00> : vector<512x8xf32>
    %dot_general3A_19 = tpu.matmul %get3A_3, %sign3A_18, %dot_general3A {dimension_numbers = #tpu.dot_dimension_numbers<[1], [1], [0], [0], [0, 0, 1, 0], [], []>, transpose_lhs_hint = false} : vector<512x768xf32>, vector<8x768xf32>, vector<512x8xf32> -> vector<512x8xf32>
    %reduce_max3A = arith.constant dense<0xFF800000> : vector<512xf32>
    %reduce_max3A_20 = vector.multi_reduction <maximumf>, %dot_general3A_19, %reduce_max3A [1] : vector<512x8xf32> to vector<512xf32>
    %broadcast_in_dim3A = vector.shape_cast %reduce_max3A_20 : vector<512xf32> to vector<512x1xf32>
    %iota3A = tpu.iota {dimensions = array<i32: 1>} : vector<512x8xi32>
    %eq3A_21 = vector.broadcast %broadcast_in_dim3A : vector<512x1xf32> to vector<512x8xf32>
    %eq3A_22 = arith.cmpf oeq, %dot_general3A_19, %eq3A_21 : vector<512x8xf32>
    %jit3A = arith.constant 8 : i32
    %broadcast_in_dim3A_23 = vector.broadcast %jit3A : i32 to vector<512x8xi32>
    %select_n3A = arith.select %eq3A_22, %iota3A, %broadcast_in_dim3A_23 : vector<512x8xi1>, vector<512x8xi32>
    %reduce_min3A = arith.constant dense<2147483647> : vector<512xi32>
    %reduce_min3A_24 = vector.multi_reduction <minsi>, %select_n3A, %reduce_min3A [1] : vector<512x8xi32> to vector<512xi32>
    %broadcast_in_dim3A_25 = vector.shape_cast %reduce_min3A_24 : vector<512xi32> to vector<512x1xi32>
    %eq3A_26 = vector.broadcast %broadcast_in_dim3A_25 : vector<512x1xi32> to vector<512x8xi32>
    %eq3A_27 = arith.cmpi eq, %iota3A, %eq3A_26 : vector<512x8xi32>
    %convert_element_type3A_28 = arith.extui %eq3A_27 : vector<512x8xi1> to vector<512x8xi32>
    %convert_element_type3A_29 = arith.sitofp %convert_element_type3A_28 : vector<512x8xi32> to vector<512x8xf32>
    %iota3A_30 = tpu.iota {dimensions = array<i32: 0>} : vector<512x512xi32>
    %iota3A_31 = tpu.iota {dimensions = array<i32: 1>} : vector<512x512xi32>
    %eq3A_32 = arith.cmpi eq, %iota3A_30, %iota3A_31 : vector<512x512xi32>
    %convert_element_type3A_33 = arith.extui %eq3A_32 : vector<512x512xi1> to vector<512x512xi32>
    %convert_element_type3A_34 = arith.sitofp %convert_element_type3A_33 : vector<512x512xi32> to vector<512x512xf32>
    %gt3A = arith.cmpi sgt, %iota3A_30, %iota3A_31 : vector<512x512xi32>
    %convert_element_type3A_35 = arith.extui %gt3A : vector<512x512xi1> to vector<512x512xi32>
    %convert_element_type3A_36 = arith.sitofp %convert_element_type3A_35 : vector<512x512xi32> to vector<512x512xf32>
    %dot_general3A_37 = arith.constant dense<0.000000e+00> : vector<8x512xf32>
    %dot_general3A_38 = tpu.matmul %convert_element_type3A_29, %convert_element_type3A_34, %dot_general3A_37 {dimension_numbers = #tpu.dot_dimension_numbers<[0], [0], [1], [1], [0, 1, 1, 1], [], []>, transpose_lhs_hint = false} : vector<512x8xf32>, vector<512x512xf32>, vector<8x512xf32> -> vector<8x512xf32>
    %dot_general3A_39 = arith.constant dense<0.000000e+00> : vector<8x512xf32>
    %dot_general3A_40 = tpu.matmul %dot_general3A_38, %convert_element_type3A_36, %dot_general3A_39 {dimension_numbers = #tpu.dot_dimension_numbers<[1], [1], [0], [0], [0, 0, 1, 0], [], []>, transpose_lhs_hint = false} : vector<8x512xf32>, vector<512x512xf32>, vector<8x512xf32> -> vector<8x512xf32>
    %iota3A_41 = tpu.iota {dimensions = array<i32: 0>} : vector<8x512xi32>
    %convert_element_type3A_42 = arith.sitofp %iota3A_41 : vector<8x512xi32> to vector<8x512xf32>
    %mul3A = arith.constant 8.192000e+03 : f32
    %mul3A_43 = vector.broadcast %mul3A : f32 to vector<8x512xf32>
    %mul3A_44 = arith.mulf %convert_element_type3A_42, %mul3A_43 : vector<8x512xf32>
    %get3A_45 = arith.constant 0 : index
    %get3A_46 = arith.constant 0 : index
    %get3A_47 = vector.load %arg5[%get3A_45, %get3A_46] : memref<8x512xf32, #tpu.memory_space<vmem>>, vector<8x512xf32>
    %add3A = arith.addf %dot_general3A_40, %get3A_47 : vector<8x512xf32>
    %add3A_48 = arith.addf %add3A, %mul3A_44 : vector<8x512xf32>
    %mul3A_49 = arith.mulf %dot_general3A_38, %add3A_48 : vector<8x512xf32>
    %reduce_sum3A = arith.constant dense<0.000000e+00> : vector<512xf32>
    %reduce_sum3A_50 = vector.multi_reduction <add>, %mul3A_49, %reduce_sum3A [0] : vector<8x512xf32> to vector<512xf32>
    %broadcast_in_dim3A_51 = vector.shape_cast %reduce_sum3A_50 : vector<512xf32> to vector<1x512xf32>
    %reduce_sum3A_52 = arith.constant dense<0.000000e+00> : vector<8xf32>
    %reduce_sum3A_53 = vector.multi_reduction <add>, %dot_general3A_38, %reduce_sum3A_52 [1] : vector<8x512xf32> to vector<8xf32>
    %broadcast_in_dim3A_54 = vector.shape_cast %reduce_sum3A_53 : vector<8xf32> to vector<8x1xf32>
    %get3A_55 = arith.constant 0 : index
    %get3A_56 = arith.constant 0 : index
    %get3A_57 = vector.load %arg5[%get3A_55, %get3A_56] : memref<8x512xf32, #tpu.memory_space<vmem>>, vector<8x512xf32>
    %broadcast_in_dim3A_58 = vector.shape_cast %broadcast_in_dim3A_54 : vector<8x1xf32> to vector<8x1xf32>
    %broadcast_in_dim3A_59 = vector.broadcast %broadcast_in_dim3A_58 : vector<8x1xf32> to vector<8x512xf32>
    %add3A_60 = arith.addf %get3A_57, %broadcast_in_dim3A_59 : vector<8x512xf32>
    %swap3A = arith.constant 0 : index
    %swap3A_61 = arith.constant 0 : index
    %swap3A_62 = vector.load %arg5[%swap3A, %swap3A_61] : memref<8x512xf32, #tpu.memory_space<vmem>>, vector<8x512xf32>
    tpu.vector_store %arg5[%swap3A, %swap3A_61], %add3A_60 {strides = array<i32>} : memref<8x512xf32, #tpu.memory_space<vmem>>, vector<8x512xf32>,
    %convert_element_type3A_63 = arith.fptosi %broadcast_in_dim3A_51 : vector<1x512xf32> to vector<1x512xi32>
    %reshape3A = vector.shape_cast %convert_element_type3A_63 : vector<1x512xi32> to vector<1x4x128xi32>
    %swap3A_64 = arith.constant 0 : index
    %swap3A_65 = arith.constant 0 : index
    %swap3A_66 = arith.constant 0 : index
    %swap3A_67 = vector.load %arg3[%swap3A_64, %swap3A_65, %swap3A_66] : memref<1x4x128xi32, #tpu.memory_space<vmem>>, vector<1x4x128xi32>
    tpu.vector_store %arg3[%swap3A_64, %swap3A_65, %swap3A_66], %reshape3A {strides = array<i32>} : memref<1x4x128xi32, #tpu.memory_space<vmem>>, vector<1x4x128xi32>,
    %eq3A_68 = arith.constant 15 : i32
    %eq3A_69 = arith.cmpi eq, %arg0, %eq3A_68 : i32
    %convert_element_type3A_70 = arith.extui %eq3A_69 : i1 to i32
    %cond3A_71 = arith.constant 0 : i32
    %cond3A_72 = arith.cmpi ne, %convert_element_type3A_70, %cond3A_71 : i32
    scf.if %cond3A_72 {
      %get3A_73 = arith.constant 0 : index
      %get3A_74 = arith.constant 0 : index
      %get3A_75 = vector.load %arg5[%get3A_73, %get3A_74] : memref<8x512xf32, #tpu.memory_space<vmem>>, vector<8x128xf32>
      %mul3A_76 = arith.constant 0.001953125 : f32
      %mul3A_77 = vector.broadcast %mul3A_76 : f32 to vector<8x128xf32>
      %mul3A_78 = arith.mulf %get3A_75, %mul3A_77 : vector<8x128xf32>
      %ceil3A = math.ceil %mul3A_78 : vector<8x128xf32>
      %iota3A_79 = tpu.iota {dimensions = array<i32: 0>} : vector<8x8xi32>
      %iota3A_80 = tpu.iota {dimensions = array<i32: 1>} : vector<8x8xi32>
      %gt3A_81 = arith.cmpi sgt, %iota3A_79, %iota3A_80 : vector<8x8xi32>
      %convert_element_type3A_82 = arith.extui %gt3A_81 : vector<8x8xi1> to vector<8x8xi32>
      %convert_element_type3A_83 = arith.sitofp %convert_element_type3A_82 : vector<8x8xi32> to vector<8x8xf32>
      %dot_general3A_84 = arith.constant dense<0.000000e+00> : vector<8x128xf32>
      %dot_general3A_85 = tpu.matmul %convert_element_type3A_83, %ceil3A, %dot_general3A_84 {dimension_numbers = #tpu.dot_dimension_numbers<[1], [0], [0], [1], [0, 0, 1, 1], [], []>, transpose_lhs_hint = false} : vector<8x8xf32>, vector<8x128xf32>, vector<8x128xf32> -> vector<8x128xf32>
      %reduce_sum3A_86 = arith.constant dense<0.000000e+00> : vector<128xf32>
      %reduce_sum3A_87 = vector.multi_reduction <add>, %ceil3A, %reduce_sum3A_86 [0] : vector<8x128xf32> to vector<128xf32>
      %broadcast_in_dim3A_88 = vector.shape_cast %reduce_sum3A_87 : vector<128xf32> to vector<1x128xf32>
      %iota3A_89 = tpu.iota {dimensions = array<i32: 1>} : vector<1x128xi32>
      %convert_element_type3A_90 = arith.sitofp %iota3A_89 : vector<1x128xi32> to vector<1x128xf32>
      %ge3A = vector.broadcast %convert_element_type3A_90 : vector<1x128xf32> to vector<8x128xf32>
      %ge3A_91 = arith.cmpf oge, %ge3A, %dot_general3A_85 : vector<8x128xf32>
      %convert_element_type3A_92 = arith.extui %ge3A_91 : vector<8x128xi1> to vector<8x128xi32>
      %convert_element_type3A_93 = arith.sitofp %convert_element_type3A_92 : vector<8x128xi32> to vector<8x128xf32>
      %reduce_sum3A_94 = arith.constant dense<0.000000e+00> : vector<128xf32>
      %reduce_sum3A_95 = vector.multi_reduction <add>, %convert_element_type3A_93, %reduce_sum3A_94 [0] : vector<8x128xf32> to vector<128xf32>
      %broadcast_in_dim3A_96 = vector.shape_cast %reduce_sum3A_95 : vector<128xf32> to vector<1x128xf32>
      %sub3A = arith.constant 1.000000e+00 : f32
      %sub3A_97 = vector.broadcast %sub3A : f32 to vector<1x128xf32>
      %sub3A_98 = arith.subf %broadcast_in_dim3A_96, %sub3A_97 : vector<1x128xf32>
      %jit3A_99 = arith.constant 0.000000e+00 : f32
      %jit3A_100 = arith.constant 7.000000e+00 : f32
      %max3A = vector.broadcast %jit3A_99 : f32 to vector<1x128xf32>
      %max3A_101 = arith.maximumf %max3A, %sub3A_98 : vector<1x128xf32>
      %min3A = vector.broadcast %jit3A_100 : f32 to vector<1x128xf32>
      %min3A_102 = arith.minimumf %min3A, %max3A_101 : vector<1x128xf32>
      %iota3A_103 = tpu.iota {dimensions = array<i32: 0>} : vector<8x128xi32>
      %convert_element_type3A_104 = arith.sitofp %iota3A_103 : vector<8x128xi32> to vector<8x128xf32>
      %eq3A_105 = vector.broadcast %min3A_102 : vector<1x128xf32> to vector<8x128xf32>
      %eq3A_106 = arith.cmpf oeq, %convert_element_type3A_104, %eq3A_105 : vector<8x128xf32>
      %convert_element_type3A_107 = arith.extui %eq3A_106 : vector<8x128xi1> to vector<8x128xi32>
      %convert_element_type3A_108 = arith.sitofp %convert_element_type3A_107 : vector<8x128xi32> to vector<8x128xf32>
      %mul3A_109 = arith.mulf %convert_element_type3A_108, %dot_general3A_85 : vector<8x128xf32>
      %reduce_sum3A_110 = arith.constant dense<0.000000e+00> : vector<128xf32>
      %reduce_sum3A_111 = vector.multi_reduction <add>, %mul3A_109, %reduce_sum3A_110 [0] : vector<8x128xf32> to vector<128xf32>
      %broadcast_in_dim3A_112 = vector.shape_cast %reduce_sum3A_111 : vector<128xf32> to vector<1x128xf32>
      %sub3A_113 = arith.subf %convert_element_type3A_90, %broadcast_in_dim3A_112 : vector<1x128xf32>
      %lt3A = arith.cmpf olt, %convert_element_type3A_90, %broadcast_in_dim3A_88 : vector<1x128xf32>
      %mul3A_114 = arith.constant 1.600000e+01 : f32
      %mul3A_115 = vector.broadcast %mul3A_114 : f32 to vector<1x128xf32>
      %mul3A_116 = arith.mulf %min3A_102, %mul3A_115 : vector<1x128xf32>
      %add3A_117 = arith.addf %mul3A_116, %sub3A_113 : vector<1x128xf32>
      %jit3A_118 = arith.constant 1.280000e+02 : f32
      %broadcast_in_dim3A_119 = vector.broadcast %jit3A_118 : f32 to vector<1x128xf32>
      %select_n3A_120 = arith.select %lt3A, %add3A_117, %broadcast_in_dim3A_119 : vector<1x128xi1>, vector<1x128xf32>
      %jit3A_121 = arith.constant 0.000000e+00 : f32
      %broadcast_in_dim3A_122 = vector.broadcast %jit3A_121 : f32 to vector<1x128xf32>
      %select_n3A_123 = arith.select %lt3A, %min3A_102, %broadcast_in_dim3A_122 : vector<1x128xi1>, vector<1x128xf32>
      %iota3A_124 = tpu.iota {dimensions = array<i32: 0>} : vector<8x128xi32>
      %eq3A_125 = arith.constant 0 : i32
      %eq3A_126 = vector.broadcast %eq3A_125 : i32 to vector<8x128xi32>
      %eq3A_127 = arith.cmpi eq, %iota3A_124, %eq3A_126 : vector<8x128xi32>
      %broadcast_in_dim3A_128 = vector.shape_cast %select_n3A_120 : vector<1x128xf32> to vector<1x128xf32>
      %broadcast_in_dim3A_129 = vector.broadcast %broadcast_in_dim3A_128 : vector<1x128xf32> to vector<8x128xf32>
      %eq3A_130 = arith.constant 1 : i32
      %eq3A_131 = vector.broadcast %eq3A_130 : i32 to vector<8x128xi32>
      %eq3A_132 = arith.cmpi eq, %iota3A_124, %eq3A_131 : vector<8x128xi32>
      %broadcast_in_dim3A_133 = vector.shape_cast %select_n3A_123 : vector<1x128xf32> to vector<1x128xf32>
      %broadcast_in_dim3A_134 = vector.broadcast %broadcast_in_dim3A_133 : vector<1x128xf32> to vector<8x128xf32>
      %jit3A_135 = arith.constant 0.000000e+00 : f32
      %broadcast_in_dim3A_136 = vector.broadcast %jit3A_135 : f32 to vector<8x128xf32>
      %select_n3A_137 = arith.select %eq3A_132, %broadcast_in_dim3A_134, %broadcast_in_dim3A_136 : vector<8x128xi1>, vector<8x128xf32>
      %select_n3A_138 = arith.select %eq3A_127, %broadcast_in_dim3A_129, %select_n3A_137 : vector<8x128xi1>, vector<8x128xf32>
      %convert_element_type3A_139 = arith.fptosi %select_n3A_138 : vector<8x128xf32> to vector<8x128xi32>
      %swap3A_140 = arith.constant 0 : index
      %swap3A_141 = arith.constant 0 : index
      %swap3A_142 = vector.load %arg4[%swap3A_140, %swap3A_141] : memref<8x128xi32, #tpu.memory_space<vmem>>, vector<8x128xi32>
      tpu.vector_store %arg4[%swap3A_140, %swap3A_141], %convert_element_type3A_139 {strides = array<i32>} : memref<8x128xi32, #tpu.memory_space<vmem>>, vector<8x128xi32>,
    } else {
    }
    return
  }
  func.func @transform_0(%arg0: i32) -> (i32, i32) {
    %c0_i32 = arith.constant 0 : i32
    %c0_i32_0 = arith.constant 0 : i32
    return %arg0, %c0_i32 : i32, i32
  }
  func.func @transform_1(%arg0: i32) -> (i32, i32) {
    %c0_i32 = arith.constant 0 : i32
    %c0_i32_0 = arith.constant 0 : i32
    %c0_i32_1 = arith.constant 0 : i32
    return %c0_i32, %c0_i32_0 : i32, i32
  }
  func.func @transform_2(%arg0: i32) -> (i32, i32, i32) {
    %c0_i32 = arith.constant 0 : i32
    %c0_i32_0 = arith.constant 0 : i32
    %c0_i32_1 = arith.constant 0 : i32
    return %arg0, %c0_i32, %c0_i32_0 : i32, i32, i32
  }
  func.func @transform_3(%arg0: i32) -> (i32, i32) {
    %c0_i32 = arith.constant 0 : i32
    %c0_i32_0 = arith.constant 0 : i32
    %c0_i32_1 = arith.constant 0 : i32
    return %c0_i32, %c0_i32_0 : i32, i32
  }
}

</mosaic_0001>

<sc_bundles>
// kernel: kernel.6.cloned.1.call-start
scs
__scs_entry_jumppad:
0x0: {  	(pc) =	sbr.rel $0x88, $3  }
0x1: {  	(tag) =	ssettag $0x0;
	lr =	simm.s32 $0x1  }
0x2: {  	[smem:$0x3F9D] =	sst lr;
	_ =	strace $0xD0000000  }
0x3: {  	_ = 	snop  }
0x4: {  	_ = 	snop  }
0x5: {  	_ = 	snop  }
0x6: {  	_ = 	snop  }
0x7: {  	_ = 	snop  }
__scs_overlays_trampoline_lowered:
0x8: {  	[smem:$0x3FAC] =	sst s0  }
0x9: {  	[smem:$0x3FAD] =	sst s1  }
0xa: {  	[smem:$0x3FAE] =	sst s2  }
0xb: {  	[smem:$0x3FAF] =	sst s3  }
0xc: {  	[smem:$0x3FB0] =	sst s4  }
0xd: {  	[smem:$0x3FB1] =	sst s5  }
0xe: {  	[smem:$0x3FB2] =	sst s6  }
0xf: {  	[smem:$0x3FB3] =	sst s7  }
0x10: {  	[smem:$0x3FB4] =	sst s8  }
0x11: {  	[smem:$0x3FB5] =	sst s9;
	s0 =	simm.s32 @!p0 $0x0  }
0x12: {  	s1 =	sld [smem:$0x3F9B];
	s0 =	simm.s32 @p0 $0x1  }
0x13: {  	[smem:$0x3FB6] =	sst s0;
	s0 =	simm.s32 @!p1 $0x0  }
0x14: {  	s2 =	sld [smem:$0x3F9A];
	s0 =	simm.s32 @p1 $0x1  }
0x15: {  	[smem:$0x3FB7] =	sst s0;
	s0 =	simm.s32 @!p2 $0x0  }
0x16: {  	s3 =	sld [smem:$0x3FDB];
	s0 =	simm.s32 @p2 $0x1  }
0x17: {  	s4 =	simm.s32 $0x1BF5;
	[smem:$0x3FB9] =	sst s0  }
0x18: {  	s0 =	sld [smem:$0x3F9C];
	_ =	swait.ge [sflag:s4], $0x0  }
0x19: {  	s7 =	sld [smem:$0x3F9D]  }
0x1a: {  	s8 =	sadd.s32 $0xFFFFE003, lr  }
0x1b: {  	s9 =	sadd.s32 $0xFFFFFEF7, lr;
	s5 =	simm.s32 $0xFFFFFFFF;
	p2 =	slt.u32 s8, $0xFFFFF086  }
0x1c: {  	p1 =	slt.u32 s9, $0xF7A;
	s5 =	simm.s32 @!p2 $0x0  }
0x1d: {  	s5 =	simm.s32 @p1 $0x1;
	p0 =	seq.s32 s7, s2  }
0x1e: {  	s7 =	smul.u32 @!p0 $0xF7A, s2;
	p2 =	seq.s32 @!p0 s5, $0x0  }
0x1f: {  	s9 =	smul.u32 $0xF7A, s1;
	s8 =	simm.s32 @!p0 $0x1BF5;
	p2 =	por !p2, p0  }
0x20: {  	[sflag:s8] =	ssyncset.s32 @!p0 $0xFFFFF086;
	s6 =	sadd.s32 @!p0 s3, s7;
	s7 =	simm.s32 @!p0 $0x108  }
0x21: {  	s3 =	sadd.s32 s3, s9;
	s6 =	sadd.s32 @!p0 $0x88, s6;
	s7 =	simm.s32 @p2 $0x1082  }
0x22: {  	[simem:s7], [sflag:s8] =	dma.local @!p0 [hbm:s6], $0xF7A  }
0x23: {  	s9 =	sor.u32 $0xD0000000, s2;
	s6 =	simm.s32 $0x108;
	_ =	swait.ge @!p0 [sflag:s8], $0x0  }
0x24: {  	s3 =	sadd.s32 $0x88, s3;
	s6 =	simm.s32 @!p1 $0x1082;
	[sflag:s4] =	ssyncset.s32 $0xFFFFF086  }
0x25: {  	[simem:s6], [sflag:s4] =	dma.local [hbm:s3], $0xF7A  }
0x26: {  	[smem:$0x3F9D] =	sst s1;
	(tag) =	ssettag s2;
	_ =	strace s9  }
0x27: {  	s1 =	sld [smem:$0x3FAD]  }
0x28: {  	s2 =	sld [smem:$0x3FAE]  }
0x29: {  	s4 =	sld [smem:$0x3FB0]  }
0x2a: {  	p0 =	seq.s32 s5, $0x0;
	s5 =	sld [smem:$0x3FB1]  }
0x2b: {  	s6 =	sld [smem:$0x3FB2]  }
0x2c: {  	s7 =	sld [smem:$0x3FB3]  }
0x2d: {  	s3 =	simm.s32 $0x108;
	s8 =	sld [smem:$0x3FB4]  }
0x2e: {  	s3 =	simm.s32 @!p0 $0x1082;
	s9 =	sld [smem:$0x3FB5]  }
0x2f: {  	lr =	sadd.s32 s0, s3;
	s0 =	sld [smem:$0x3FAC]  }
0x30: {  	s3 =	sld [smem:$0x3FAF]  }
0x31: {  	[smem:$0x3FB8] =	sst s10  }
0x32: {  	s10 =	sld [smem:$0x3FB6];
	_ =	sdelay $0x3  }
0x33: {  	p0 =	seq.s32 s10, $0x1;
	s10 =	sld [smem:$0x3FB8];
	_ =	sdelay $0x3  }
0x34: {  	[smem:$0x3FB8] =	sst s10  }
0x35: {  	s10 =	sld [smem:$0x3FB7];
	_ =	sdelay $0x3  }
0x36: {  	p1 =	seq.s32 s10, $0x1;
	s10 =	sld [smem:$0x3FB8];
	_ =	sdelay $0x3  }
0x37: {  	[smem:$0x3FB8] =	sst s10  }
0x38: {  	s10 =	sld [smem:$0x3FB9]  }
0x39: {  	_ = 	snop;
	(pc) =	sbr.ind lr, $3  }
0x3a: {  	_ = 	snop  }
0x3b: {  	_ = 	snop  }
0x3c: {  	p2 =	seq.s32 s10, $0x1;
	s10 =	sld [smem:$0x3FB8]  }
0x3d: {  	_ =	shalt  }
0x3e: {  	_ =	shalt  }
0x3f: {  	_ =	shalt  }
0x40: {  	_ =	shalt  }
0x41: {  	_ =	shalt  }
0x42: {  	_ =	shalt  }
0x43: {  	_ =	shalt  }
0x44: {  	_ =	shalt  }
0x45: {  	_ =	shalt  }
0x46: {  	_ =	shalt  }
0x47: {  	_ =	shalt  }
0x48: {  	_ =	shalt  }
0x49: {  	_ =	shalt  }
0x4a: {  	_ =	shalt  }
0x4b: {  	_ =	shalt  }
0x4c: {  	_ =	shalt  }
0x4d: {  	_ =	shalt  }
0x4e: {  	_ =	shalt  }
0x4f: {  	_ =	shalt  }
0x50: {  	_ =	shalt  }
0x51: {  	_ =	shalt  }
0x52: {  	_ =	shalt  }
0x53: {  	_ =	shalt  }
0x54: {  	_ =	shalt  }
0x55: {  	_ =	shalt  }
0x56: {  	_ =	shalt  }
0x57: {  	_ =	shalt  }
0x58: {  	_ =	shalt  }
0x59: {  	_ =	shalt  }
0x5a: {  	_ =	shalt  }
0x5b: {  	_ =	shalt  }
0x5c: {  	_ =	shalt  }
0x5d: {  	_ =	shalt  }
0x5e: {  	_ =	shalt  }
0x5f: {  	_ =	shalt  }
0x60: {  	_ =	shalt  }
0x61: {  	_ =	shalt  }
0x62: {  	_ =	shalt  }
0x63: {  	_ =	shalt  }
0x64: {  	_ =	shalt  }
0x65: {  	_ =	shalt  }
0x66: {  	_ =	shalt  }
0x67: {  	_ =	shalt  }
0x68: {  	_ =	shalt  }
0x69: {  	_ =	shalt  }
0x6a: {  	_ =	shalt  }
0x6b: {  	_ =	shalt  }
0x6c: {  	_ =	shalt  }
0x6d: {  	_ =	shalt  }
0x6e: {  	_ =	shalt  }
0x6f: {  	_ =	shalt  }
0x70: {  	_ =	shalt  }
0x71: {  	_ =	shalt  }
0x72: {  	_ =	shalt  }
0x73: {  	_ =	shalt  }
0x74: {  	_ =	shalt  }
0x75: {  	_ =	shalt  }
0x76: {  	_ =	shalt  }
0x77: {  	_ =	shalt  }
0x78: {  	_ =	shalt  }
0x79: {  	_ =	shalt  }
0x7a: {  	_ =	shalt  }
0x7b: {  	_ =	shalt  }
0x7c: {  	_ =	shalt  }
0x7d: {  	_ =	shalt  }
0x7e: {  	_ =	shalt  }
0x7f: {  	_ =	shalt  }
0x80: {  	_ =	shalt  }
0x81: {  	_ =	shalt  }
0x82: {  	_ =	shalt  }
0x83: {  	_ =	shalt  }
0x84: {  	_ =	shalt  }
0x85: {  	_ =	shalt  }
0x86: {  	_ =	shalt  }
0x87: {  	_ =	shalt  }
.Lfunc_end0:
.L_simem_size_0:
called_computation_lowered:
.L_overlay_start_0:
0x88: {  	s2 =	sld [smem:$0x3FD9]  }
0x89: {  	s3 =	sld [smem:$0x3FFE];
	_ =	sdelay $0x1  }
0x8a: {  	s1 =	srdreg.scid  }
0x8b: {  	s0 =	sand.u32 $0x1, s1  }
0x8c: {  	s17 =	sshll.u32 s0, $0xA;
	s2 =	sadd.s32 s3, s2  }
0x8d: {  	s2 =	sadd.s32 s2, s17  }
0x8e: {  	[smem:$0x3FC4] =	sst s2  }
0x8f: {  	_ = 	snop  }
0x90: {  	s2 =	sld [smem:$0x3FC9];
	(tm) =	ssettm $0x1  }
0x91: {  	s18 =	sld [smem:$0x3FFB];
	_ =	sdelay $0x3  }
0x92: {  	_ =	strace s18  }
0x93: {  	s3 =	sld [smem:$0x3FFC];
	_ =	sdelay $0x3  }
0x94: {  	_ =	strace s3  }
0x95: {  	s3 =	sld [smem:$0x3FFD];
	_ =	sdelay $0x3  }
0x96: {  	_ =	strace s3  }
0x97: {  	_ =	strace $0x8FFFFFFF  }
0x98: {  	s19 =	sld [smem:$0x3FDB];
	_ =	sdelay $0x1  }
0x99: {  	s4 =	simm.s32 $_scs_section_size  }
0x9a: {  	s5 =	simm.s32 $_size__tile_overlayer_lowered;
	s6 =	simm.s32 $_tile_overlayer_lowered  }
0x9b: {  	s22 =	simm.s32 $0x1BFF;
	s21 =	sshll.u32 s6, $0x1;
	s3 =	sadd.s32 s4, s19  }
0x9c: {  	s7 =	simm.s32 $0x0;
	s20 =	sshll.u32 s5, $0x1;
	s5 =	sadd.s32 s21, s3  }
0x9d: {  	[timem:s7], [sflag:s22] =	dma.local [hbm:s5], s20  }
0x9e: {  	_ =	swait.ge [sflag:s22], s20  }
0x9f: {  	s4 =	ssub.s32 $0x0, s20;
	[sflag:s22] =	ssyncset.done $0x0  }
0xa0: {  	[sflag:s22] =	ssyncadd.s32 s4;
	_ =	sdelay $0x1  }
0xa1: {  	s23 =	simm.s32 $0x1B8B  }
0xa2: {  	_ =	swait.ge [sflag:s23], $0x1  }
0xa3: {  	[sflag:s23] =	ssyncset.done $0x0  }
0xa4: {  	s25 =	simm.s32 $0x1B8E;
	s24 =	sld [smem:$0x3FFE];
	[sflag:s23] =	ssyncadd.s32 $0xFFFFFFFF  }
0xa5: {  	s26 =	simm.s32 $execute0_lowered;
	[smem:$0x3FD2] =	sst s25  }
0xa6: {  	s5 =	sshll.u32 s26, $0x1;
	_ =	strace $0x80000046;
	[dreg:$0x1] =	wrdreg $0xFFFFFFFF  }
0xa7: {  	s28 =	simm.s32 $_size_execute0_lowered;
	s3 =	sadd.s32 s3, s5;
	[dreg:$0x0] =	wrdreg $0x0  }
0xa8: {  	s5 =	sshll.u32 s28, $0x1;
	[dreg:$0x2] =	wrdreg s3  }
0xa9: {  	[dreg:$0x3] =	wrdreg s5  }
0xaa: {  	[dreg:$0x4] =	wrdreg $0xC0  }
0xab: {  	_ =	task [dreg:s7], $0x5FFFF  }
0xac: {  	[dreg:$0x1] =	wrdreg $0xFFFFFFFF  }
0xad: {  	[dreg:$0x0] =	wrdreg $0x60  }
0xae: {  	[dreg:$0x2] =	wrdreg s2  }
0xaf: {  	[dreg:$0x3] =	wrdreg s24  }
0xb0: {  	[dreg:$0x4] =	wrdreg $0x9  }
0xb1: {  	_ =	task.clear_ibuf [dreg:s7], $0x5FFFF;
	_ =	strace $0x90000046  }
0xb2: {  	s29 =	simm.s32 $0x9;
	_ =	strace $0x80000048  }
0xb3: {  	_ =	swait.ge [sflag:s29], $0x1  }
0xb4: {  	[sflag:s29] =	ssyncadd.s32 $0xFFFFFFFF  }
0xb5: {  	_ =	strace $0x90000048  }
0xb6: {  	_ =	sfence  }
0xb7: {  	s30 =	sld [smem:$0x0];
	_ =	sdelay $0x2  }
0xb8: {  	s31 =	sshll.u32 s1, $0xD;
	s1 =	sshrl.u32 s1, $0x2  }
0xb9: {  	s3 =	sand.u32 $0x4000, s31;
	s1 =	sadd.s32 s1, s30  }
0xba: {  	s0 =	sor.u32 s3, s0;
	s1 =	sshll.u32 s1, $0x11  }
0xbb: {  	s0 =	sor.u32 s1, s0  }
0xbc: {  	s0 =	sadd.s32 $0x8F2B, s0  }
0xbd: {  	[sflag:s0] =	ssyncadd.remote.s32 $0x1  }
0xbe: {  	_ =	sfence.sel $0xFFFF  }
0xbf: {  	[dreg:$0x0] =	wrdreg $0xFFFFFFFF;
	(pc) =	sbr.abs _section_cstart, $3  }
0xc0: {  	[dreg:$0x1] =	wrdreg $0xFFFFFFFF  }
0xc1: {  	_ =	task.clear_ibuf [dreg:s7], $0x2FFFF;
	_ =	strace $0x9FFFFFFF  }
0xc2: {  	(tm) =	ssettm $0x7FFFFFFF  }
0xc3: {  	_ =	shalt  }
tec
execute0_lowered:
.L_overlay_start_1:
0x0: {  	(tag) =	ssettag $0x1  }
0x1: {  	s0 =	srdreg.scid;
	s1 =	rddreg [dreg:$0x0]  }
0x2: {  	s5 =	rddreg [dreg:$0x1];
	s4 =	stileid.u32  }
0x3: {  	s10 =	simm.s32 $0x880;
	s11 =	simm.s32 $0x1080;
	s12 =	simm.s32 $0x1880  }
0x4: {  	s13 =	simm.s32 $0x2080;
	s14 =	simm.s32 $0x2880;
	s15 =	simm.s32 $0x3080  }
0x5: {  	s16 =	simm.s32 $0x3880;
	s17 =	simm.s32 $0x4080;
	s18 =	simm.s32 $0x4880  }
0x6: {  	s19 =	simm.s32 $0x5080;
	s20 =	simm.s32 $0x5880;
	s21 =	simm.s32 $0x6080  }
0x7: {  	s22 =	simm.s32 $0x6880;
	s23 =	simm.s32 $0x7080;
	s24 =	simm.s32 $0x7880  }
0x8: {  	s25 =	simm.s32 $0x8080;
	s28 =	simm.s32 $0x9080;
	s0 =	sand.u32 $0x1, s0  }
0x9: {  	s29 =	simm.s32 $0x9880;
	s30 =	simm.s32 $0xA080;
	s2 =	sshll.u32 s0, $0x4  }
0xa: {  	s31 =	simm.s32 $0xA880;
	s0 =	ssub.s32 $0x2, s0;
	s3 =	sor.u32 s4, s2  }
0xb: {  	s2 =	simm.s32 $0x0;
	s4 =	sshll.u32 s4, $0x5;
	s8 =	sshrl.u32 s0, $0x1  }
0xc: {  	s6 =	sshll.u32 s3, $0x5;
	[smem:$0x7FF] =	sst s2;
	s26 =	smul.u32 $0x6000, s3  }
0xd: {  	s4 =	sand.u32 $0x20, s4;
	s7 =	smul.u32 $0x30000, s3;
	s3 =	sadd.s32 $0x1A00, s5  }
0xe: {  	s0 =	ssub.s32 s0, s8;
	s6 =	sand.u32 $0x3C0, s6;
	_ =	strace $0x80000047  }
0xf: {  	s4 =	sor.u32 s4, s6;
	s6 =	sadd.s32 s1, s26;
	s7 =	sshrl.u32 s7, $0x3  }
0x10: {  	s26 =	simm.s32 $0x8880;
	s4 =	sadd.s32 s4, s5;
	[dreg:$0x4] =	wrdreg s6  }
0x11: {  	s1 =	sadd.s32 s1, s7;
	s6 =	smax.u32 s0, $0x1;
	s9 =	sadd.s32 $0x1600, s4  }
0x12: {  	v2 =	vlaneseq.u32;
	s7 =	simm.s32 $0x2;
	s4 =	sadd.s32 $0x1610, s4;
	[dreg:$0x3] =	wrdreg s9  }
0x13: {  	vm0 =	vmmov $0xffff;
	v1 =	vshrl.u32 v2, $0x3;
	s1 =	sadd.s32 $0x3000, s1;
	[dreg:$0x5] =	wrdreg s4;
	s4 =	sadd.s32 $0x1B00, s5  }
0x14: {  	v0 =	vand.u32 $0x7, v2;
	v2 =	vor.u32 $0x8, v2;
	v1 =	vmul.u32 $0x8, v1;
	s5 =	sadd.s32 $0x1C00, s5;
	[dreg:$0x6] =	wrdreg s1;
	s1 =	simm.s32 $0x1  }
.LBB2_1:
0x15: {  	s9 =	rddreg [dreg:$0x3]  }
0x16: {  	[tilespmem:s2], [sflag:$0x2] =	stream.linear.gather [hbm4b:s9+s2], $0x80, $0x38;
	[tilespmem:$0x18080] =	vst v63  }
0x17: {  	_ =	swait.ge [sflag:s7], $0x80  }
0x18: {  	[sflag:s7] =	ssyncset.done $0x0  }
0x19: {  	s0 =	simm.s32 $0x80;
	s8 =	rddreg [dreg:$0x4];
	[sflag:s7] =	ssyncadd.s32 $0xFFFFFF80  }
0x1a: {  	[tilespmem:s0], [sflag:$0x2] =	stream.linear.gather [hbm4b:s8+s2], $0x18000, $0x38;
	[tilespmem:$0x18080] =	vst v63  }
0x1b: {  	_ =	swait.ge [sflag:s7], $0x18000  }
0x1c: {  	[sflag:s7] =	ssyncset.done $0x0  }
0x1d: {  	[sflag:s7] =	ssyncadd.s32 $0xFFFE8000  }
0x1e: {  	v3 =	vld [tilespmem:$0x0];
	_ =	sdelay $0x4  }
0x1f: {  	v4 =	vshrl.u32 v3, $0x3  }
0x20: {  	v4 =	vmul.u32 $0x30, v4  }
0x21: {  	v3 =	vand.u32 $0x7, v3  }
0x22: {  	v3 =	vor.u32 v3, v4  }
0x23: {  	v4 =	vperm.xlane v3, v0;
	_ =	sdelay $0x1  }
0x24: {  	v4 =	vadd.s32 v1, v4;
	_ =	sdelay $0x3  }
0x25: {  	v3 =	vperm.xlane v3, v2  }
0x26: {  	[hbm4b:s3+s2] =	stream.indirect_vreg.scatter [tilespmem:s0], [sflag:$0x1], $0x80, v4, vm0, $0xb8;
	[tilespmem:$0x18080] =	vst v63  }
0x27: {  	v3 =	vadd.s32 v1, v3  }
0x28: {  	[hbm4b:s4+s2] =	stream.indirect_vreg.scatter [tilespmem:s10], [sflag:$0x1], $0x80, v4, vm0, $0xb8;
	[tilespmem:$0x18080] =	vst v63  }
0x29: {  	_ = 	snop  }
0x2a: {  	[hbm4b:s5+s2] =	stream.indirect_vreg.scatter [tilespmem:s11], [sflag:$0x1], $0x80, v4, vm0, $0xb8;
	[tilespmem:$0x18080] =	vst v63  }
0x2b: {  	_ = 	snop  }
0x2c: {  	[hbm4b:s3+s2] =	stream.indirect_vreg.scatter [tilespmem:s12], [sflag:$0x1], $0x80, v3, vm0, $0xb8;
	[tilespmem:$0x18080] =	vst v63  }
0x2d: {  	_ = 	snop  }
0x2e: {  	[hbm4b:s4+s2] =	stream.indirect_vreg.scatter [tilespmem:s13], [sflag:$0x1], $0x80, v3, vm0, $0xb8;
	[tilespmem:$0x18080] =	vst v63  }
0x2f: {  	_ = 	snop  }
0x30: {  	[hbm4b:s5+s2] =	stream.indirect_vreg.scatter [tilespmem:s14], [sflag:$0x1], $0x80, v3, vm0, $0xb8;
	[tilespmem:$0x18080] =	vst v63  }
0x31: {  	v3 =	vld [tilespmem:$0x10];
	_ =	sdelay $0x4  }
0x32: {  	v49 =	vshrl.u32 v3, $0x3  }
0x33: {  	v4 =	vmul.u32 $0x30, v49  }
0x34: {  	v3 =	vand.u32 $0x7, v3  }
0x35: {  	v3 =	vor.u32 v3, v4  }
0x36: {  	v4 =	vperm.xlane v3, v0;
	_ =	sdelay $0x1  }
0x37: {  	v4 =	vadd.s32 v1, v4;
	_ =	sdelay $0x3  }
0x38: {  	v3 =	vperm.xlane v3, v2  }
0x39: {  	[hbm4b:s3+s2] =	stream.indirect_vreg.scatter [tilespmem:s15], [sflag:$0x1], $0x80, v4, vm0, $0xb8;
	[tilespmem:$0x18080] =	vst v63  }
0x3a: {  	v3 =	vadd.s32 v1, v3  }
0x3b: {  	[hbm4b:s4+s2] =	stream.indirect_vreg.scatter [tilespmem:s16], [sflag:$0x1], $0x80, v4, vm0, $0xb8;
	[tilespmem:$0x18080] =	vst v63  }
0x3c: {  	_ = 	snop  }
0x3d: {  	[hbm4b:s5+s2] =	stream.indirect_vreg.scatter [tilespmem:s17], [sflag:$0x1], $0x80, v4, vm0, $0xb8;
	[tilespmem:$0x18080] =	vst v63  }
0x3e: {  	_ = 	snop  }
0x3f: {  	[hbm4b:s3+s2] =	stream.indirect_vreg.scatter [tilespmem:s18], [sflag:$0x1], $0x80, v3, vm0, $0xb8;
	[tilespmem:$0x18080] =	vst v63  }
0x40: {  	_ = 	snop  }
0x41: {  	[hbm4b:s4+s2] =	stream.indirect_vreg.scatter [tilespmem:s19], [sflag:$0x1], $0x80, v3, vm0, $0xb8;
	[tilespmem:$0x18080] =	vst v63  }
0x42: {  	_ = 	snop  }
0x43: {  	[hbm4b:s5+s2] =	stream.indirect_vreg.scatter [tilespmem:s20], [sflag:$0x1], $0x80, v3, vm0, $0xb8;
	[tilespmem:$0x18080] =	vst v63  }
0x44: {  	v3 =	vld [tilespmem:$0x20];
	_ =	sdelay $0x4  }
0x45: {  	v50 =	vshrl.u32 v3, $0x3  }
0x46: {  	v4 =	vmul.u32 $0x30, v50  }
0x47: {  	v3 =	vand.u32 $0x7, v3  }
0x48: {  	v3 =	vor.u32 v3, v4  }
0x49: {  	v4 =	vperm.xlane v3, v0;
	_ =	sdelay $0x1  }
0x4a: {  	v4 =	vadd.s32 v1, v4;
	_ =	sdelay $0x3  }
0x4b: {  	v3 =	vperm.xlane v3, v2  }
0x4c: {  	[hbm4b:s3+s2] =	stream.indirect_vreg.scatter [tilespmem:s21], [sflag:$0x1], $0x80, v4, vm0, $0xb8;
	[tilespmem:$0x18080] =	vst v63  }
0x4d: {  	v3 =	vadd.s32 v1, v3  }
0x4e: {  	[hbm4b:s4+s2] =	stream.indirect_vreg.scatter [tilespmem:s22], [sflag:$0x1], $0x80, v4, vm0, $0xb8;
	[tilespmem:$0x18080] =	vst v63  }
0x4f: {  	_ = 	snop  }
0x50: {  	[hbm4b:s5+s2] =	stream.indirect_vreg.scatter [tilespmem:s23], [sflag:$0x1], $0x80, v4, vm0, $0xb8;
	[tilespmem:$0x18080] =	vst v63  }
0x51: {  	_ = 	snop  }
0x52: {  	[hbm4b:s3+s2] =	stream.indirect_vreg.scatter [tilespmem:s24], [sflag:$0x1], $0x80, v3, vm0, $0xb8;
	[tilespmem:$0x18080] =	vst v63  }
0x53: {  	_ = 	snop  }
0x54: {  	[hbm4b:s4+s2] =	stream.indirect_vreg.scatter [tilespmem:s25], [sflag:$0x1], $0x80, v3, vm0, $0xb8;
	[tilespmem:$0x18080] =	vst v63  }
0x55: {  	_ = 	snop  }
0x56: {  	[hbm4b:s5+s2] =	stream.indirect_vreg.scatter [tilespmem:s26], [sflag:$0x1], $0x80, v3, vm0, $0xb8;
	[tilespmem:$0x18080] =	vst v63  }
0x57: {  	v3 =	vld [tilespmem:$0x30];
	_ =	sdelay $0x4  }
0x58: {  	v51 =	vshrl.u32 v3, $0x3  }
0x59: {  	v4 =	vmul.u32 $0x30, v51  }
0x5a: {  	v3 =	vand.u32 $0x7, v3  }
0x5b: {  	v3 =	vor.u32 v3, v4  }
0x5c: {  	v4 =	vperm.xlane v3, v0;
	_ =	sdelay $0x1  }
0x5d: {  	v4 =	vadd.s32 v1, v4;
	_ =	sdelay $0x3  }
0x5e: {  	v3 =	vperm.xlane v3, v2  }
0x5f: {  	[hbm4b:s3+s2] =	stream.indirect_vreg.scatter [tilespmem:s28], [sflag:$0x1], $0x80, v4, vm0, $0xb8;
	[tilespmem:$0x18080] =	vst v63  }
0x60: {  	v3 =	vadd.s32 v1, v3  }
0x61: {  	[hbm4b:s4+s2] =	stream.indirect_vreg.scatter [tilespmem:s29], [sflag:$0x1], $0x80, v4, vm0, $0xb8;
	[tilespmem:$0x18080] =	vst v63  }
0x62: {  	_ = 	snop  }
0x63: {  	[hbm4b:s5+s2] =	stream.indirect_vreg.scatter [tilespmem:s30], [sflag:$0x1], $0x80, v4, vm0, $0xb8;
	[tilespmem:$0x18080] =	vst v63  }
0x64: {  	_ = 	snop  }
0x65: {  	[hbm4b:s3+s2] =	stream.indirect_vreg.scatter [tilespmem:s31], [sflag:$0x1], $0x80, v3, vm0, $0xb8;
	[tilespmem:$0x18080] =	vst v63  }
0x66: {  	s8 =	simm.s32 $0xB080  }
0x67: {  	[hbm4b:s4+s2] =	stream.indirect_vreg.scatter [tilespmem:s8], [sflag:$0x1], $0x80, v3, vm0, $0xb8;
	[tilespmem:$0x18080] =	vst v63  }
0x68: {  	s8 =	simm.s32 $0xB880  }
0x69: {  	[hbm4b:s5+s2] =	stream.indirect_vreg.scatter [tilespmem:s8], [sflag:$0x1], $0x80, v3, vm0, $0xb8;
	[tilespmem:$0x18080] =	vst v63  }
0x6a: {  	v3 =	vld [tilespmem:$0x40];
	_ =	sdelay $0x4  }
0x6b: {  	v52 =	vshrl.u32 v3, $0x3  }
0x6c: {  	v4 =	vmul.u32 $0x30, v52  }
0x6d: {  	v3 =	vand.u32 $0x7, v3  }
0x6e: {  	v3 =	vor.u32 v3, v4  }
0x6f: {  	v4 =	vperm.xlane v3, v0;
	_ =	sdelay $0x1  }
0x70: {  	v4 =	vadd.s32 v1, v4;
	_ =	sdelay $0x3  }
0x71: {  	s9 =	simm.s32 $0xC080;
	v3 =	vperm.xlane v3, v2  }
0x72: {  	[hbm4b:s3+s2] =	stream.indirect_vreg.scatter [tilespmem:s9], [sflag:$0x1], $0x80, v4, vm0, $0xb8;
	[tilespmem:$0x18080] =	vst v63  }
0x73: {  	v3 =	vadd.s32 v1, v3;
	s9 =	simm.s32 $0xC880  }
0x74: {  	[hbm4b:s4+s2] =	stream.indirect_vreg.scatter [tilespmem:s9], [sflag:$0x1], $0x80, v4, vm0, $0xb8;
	[tilespmem:$0x18080] =	vst v63  }
0x75: {  	s9 =	simm.s32 $0xD080  }
0x76: {  	[hbm4b:s5+s2] =	stream.indirect_vreg.scatter [tilespmem:s9], [sflag:$0x1], $0x80, v4, vm0, $0xb8;
	[tilespmem:$0x18080] =	vst v63  }
0x77: {  	s9 =	simm.s32 $0xD880  }
0x78: {  	[hbm4b:s3+s2] =	stream.indirect_vreg.scatter [tilespmem:s9], [sflag:$0x1], $0x80, v3, vm0, $0xb8;
	[tilespmem:$0x18080] =	vst v63  }
0x79: {  	s9 =	simm.s32 $0xE080  }
0x7a: {  	[hbm4b:s4+s2] =	stream.indirect_vreg.scatter [tilespmem:s9], [sflag:$0x1], $0x80, v3, vm0, $0xb8;
	[tilespmem:$0x18080] =	vst v63  }
0x7b: {  	s9 =	simm.s32 $0xE880  }
0x7c: {  	[hbm4b:s5+s2] =	stream.indirect_vreg.scatter [tilespmem:s9], [sflag:$0x1], $0x80, v3, vm0, $0xb8;
	[tilespmem:$0x18080] =	vst v63  }
0x7d: {  	v3 =	vld [tilespmem:$0x50];
	_ =	sdelay $0x4  }
0x7e: {  	v53 =	vshrl.u32 v3, $0x3  }
0x7f: {  	v4 =	vmul.u32 $0x30, v53  }
0x80: {  	v3 =	vand.u32 $0x7, v3  }
0x81: {  	v3 =	vor.u32 v3, v4  }
0x82: {  	v4 =	vperm.xlane v3, v0;
	_ =	sdelay $0x1  }
0x83: {  	v4 =	vadd.s32 v1, v4;
	_ =	sdelay $0x3  }
0x84: {  	s9 =	simm.s32 $0xF080;
	v3 =	vperm.xlane v3, v2  }
0x85: {  	[hbm4b:s3+s2] =	stream.indirect_vreg.scatter [tilespmem:s9], [sflag:$0x1], $0x80, v4, vm0, $0xb8;
	[tilespmem:$0x18080] =	vst v63  }
0x86: {  	v3 =	vadd.s32 v1, v3;
	s9 =	simm.s32 $0xF880  }
0x87: {  	[hbm4b:s4+s2] =	stream.indirect_vreg.scatter [tilespmem:s9], [sflag:$0x1], $0x80, v4, vm0, $0xb8;
	[tilespmem:$0x18080] =	vst v63  }
0x88: {  	s9 =	simm.s32 $0x10080  }
0x89: {  	[hbm4b:s5+s2] =	stream.indirect_vreg.scatter [tilespmem:s9], [sflag:$0x1], $0x80, v4, vm0, $0xb8;
	[tilespmem:$0x18080] =	vst v63  }
0x8a: {  	s9 =	simm.s32 $0x10880  }
0x8b: {  	[hbm4b:s3+s2] =	stream.indirect_vreg.scatter [tilespmem:s9], [sflag:$0x1], $0x80, v3, vm0, $0xb8;
	[tilespmem:$0x18080] =	vst v63  }
0x8c: {  	s9 =	simm.s32 $0x11080  }
0x8d: {  	[hbm4b:s4+s2] =	stream.indirect_vreg.scatter [tilespmem:s9], [sflag:$0x1], $0x80, v3, vm0, $0xb8;
	[tilespmem:$0x18080] =	vst v63  }
0x8e: {  	s9 =	simm.s32 $0x11880  }
0x8f: {  	[hbm4b:s5+s2] =	stream.indirect_vreg.scatter [tilespmem:s9], [sflag:$0x1], $0x80, v3, vm0, $0xb8;
	[tilespmem:$0x18080] =	vst v63  }
0x90: {  	v3 =	vld [tilespmem:$0x60];
	_ =	sdelay $0x4  }
0x91: {  	v54 =	vshrl.u32 v3, $0x3  }
0x92: {  	v4 =	vmul.u32 $0x30, v54  }
0x93: {  	v3 =	vand.u32 $0x7, v3  }
0x94: {  	v3 =	vor.u32 v3, v4  }
0x95: {  	v4 =	vperm.xlane v3, v0;
	_ =	sdelay $0x1  }
0x96: {  	v4 =	vadd.s32 v1, v4;
	_ =	sdelay $0x3  }
0x97: {  	s9 =	simm.s32 $0x12080;
	v3 =	vperm.xlane v3, v2  }
0x98: {  	[hbm4b:s3+s2] =	stream.indirect_vreg.scatter [tilespmem:s9], [sflag:$0x1], $0x80, v4, vm0, $0xb8;
	[tilespmem:$0x18080] =	vst v63  }
0x99: {  	v3 =	vadd.s32 v1, v3;
	s9 =	simm.s32 $0x12880  }
0x9a: {  	[hbm4b:s4+s2] =	stream.indirect_vreg.scatter [tilespmem:s9], [sflag:$0x1], $0x80, v4, vm0, $0xb8;
	[tilespmem:$0x18080] =	vst v63  }
0x9b: {  	s9 =	simm.s32 $0x13080  }
0x9c: {  	[hbm4b:s5+s2] =	stream.indirect_vreg.scatter [tilespmem:s9], [sflag:$0x1], $0x80, v4, vm0, $0xb8;
	[tilespmem:$0x18080] =	vst v63  }
0x9d: {  	s9 =	simm.s32 $0x13880  }
0x9e: {  	[hbm4b:s3+s2] =	stream.indirect_vreg.scatter [tilespmem:s9], [sflag:$0x1], $0x80, v3, vm0, $0xb8;
	[tilespmem:$0x18080] =	vst v63  }
0x9f: {  	s9 =	simm.s32 $0x14080  }
0xa0: {  	[hbm4b:s4+s2] =	stream.indirect_vreg.scatter [tilespmem:s9], [sflag:$0x1], $0x80, v3, vm0, $0xb8;
	[tilespmem:$0x18080] =	vst v63  }
0xa1: {  	s9 =	simm.s32 $0x14880  }
0xa2: {  	[hbm4b:s5+s2] =	stream.indirect_vreg.scatter [tilespmem:s9], [sflag:$0x1], $0x80, v3, vm0, $0xb8;
	[tilespmem:$0x18080] =	vst v63  }
0xa3: {  	v3 =	vld [tilespmem:$0x70];
	_ =	sdelay $0x4  }
0xa4: {  	v55 =	vshrl.u32 v3, $0x3  }
0xa5: {  	v4 =	vmul.u32 $0x30, v55  }
0xa6: {  	v3 =	vand.u32 $0x7, v3  }
0xa7: {  	v3 =	vor.u32 v3, v4  }
0xa8: {  	v4 =	vperm.xlane v3, v0;
	_ =	sdelay $0x1  }
0xa9: {  	v4 =	vadd.s32 v1, v4;
	_ =	sdelay $0x3  }
0xaa: {  	s9 =	simm.s32 $0x15080;
	v3 =	vperm.xlane v3, v2  }
0xab: {  	[hbm4b:s3+s2] =	stream.indirect_vreg.scatter [tilespmem:s9], [sflag:$0x1], $0x80, v4, vm0, $0xb8;
	[tilespmem:$0x18080] =	vst v63  }
0xac: {  	v3 =	vadd.s32 v1, v3;
	s9 =	simm.s32 $0x15880  }
0xad: {  	[hbm4b:s4+s2] =	stream.indirect_vreg.scatter [tilespmem:s9], [sflag:$0x1], $0x80, v4, vm0, $0xb8;
	[tilespmem:$0x18080] =	vst v63  }
0xae: {  	s9 =	simm.s32 $0x16080  }
0xaf: {  	[hbm4b:s5+s2] =	stream.indirect_vreg.scatter [tilespmem:s9], [sflag:$0x1], $0x80, v4, vm0, $0xb8;
	[tilespmem:$0x18080] =	vst v63  }
0xb0: {  	s9 =	simm.s32 $0x16880  }
0xb1: {  	[hbm4b:s3+s2] =	stream.indirect_vreg.scatter [tilespmem:s9], [sflag:$0x1], $0x80, v3, vm0, $0xb8;
	[tilespmem:$0x18080] =	vst v63  }
0xb2: {  	s9 =	simm.s32 $0x17080  }
0xb3: {  	[hbm4b:s4+s2] =	stream.indirect_vreg.scatter [tilespmem:s9], [sflag:$0x1], $0x80, v3, vm0, $0xb8;
	[tilespmem:$0x18080] =	vst v63  }
0xb4: {  	s9 =	simm.s32 $0x17880  }
0xb5: {  	[hbm4b:s5+s2] =	stream.indirect_vreg.scatter [tilespmem:s9], [sflag:$0x1], $0x80, v3, vm0, $0xb8;
	[tilespmem:$0x18080] =	vst v63  }
0xb6: {  	_ =	swait.ge [sflag:s1], $0x18000  }
0xb7: {  	[sflag:s1] =	ssyncset.done $0x0  }
0xb8: {  	s9 =	rddreg [dreg:$0x5];
	[sflag:s1] =	ssyncadd.s32 $0xFFFE8000  }
0xb9: {  	[tilespmem:s2], [sflag:$0x2] =	stream.linear.gather [hbm4b:s9+s2], $0x80, $0x38;
	[tilespmem:$0x18080] =	vst v63  }
0xba: {  	_ =	swait.ge [sflag:s7], $0x80  }
0xbb: {  	[sflag:s7] =	ssyncset.done $0x0  }
0xbc: {  	s9 =	rddreg [dreg:$0x6];
	[sflag:s7] =	ssyncadd.s32 $0xFFFFFF80  }
0xbd: {  	[tilespmem:s0], [sflag:$0x2] =	stream.linear.gather [hbm4b:s9+s2], $0x18000, $0x38;
	[tilespmem:$0x18080] =	vst v63  }
0xbe: {  	_ =	swait.ge [sflag:s7], $0x18000  }
0xbf: {  	[sflag:s7] =	ssyncset.done $0x0  }
0xc0: {  	[sflag:s7] =	ssyncadd.s32 $0xFFFE8000  }
0xc1: {  	v3 =	vld [tilespmem:$0x0];
	_ =	sdelay $0x4  }
0xc2: {  	v56 =	vshrl.u32 v3, $0x3  }
0xc3: {  	v4 =	vmul.u32 $0x30, v56  }
0xc4: {  	v3 =	vand.u32 $0x7, v3  }
0xc5: {  	v3 =	vor.u32 v3, v4  }
0xc6: {  	v4 =	vperm.xlane v3, v0;
	_ =	sdelay $0x1  }
0xc7: {  	v4 =	vadd.s32 v1, v4;
	_ =	sdelay $0x3  }
0xc8: {  	v3 =	vperm.xlane v3, v2  }
0xc9: {  	[hbm4b:s3+s2] =	stream.indirect_vreg.scatter [tilespmem:s0], [sflag:$0x1], $0x80, v4, vm0, $0xb8;
	[tilespmem:$0x18080] =	vst v63  }
0xca: {  	v3 =	vadd.s32 v1, v3  }
0xcb: {  	[hbm4b:s4+s2] =	stream.indirect_vreg.scatter [tilespmem:s10], [sflag:$0x1], $0x80, v4, vm0, $0xb8;
	[tilespmem:$0x18080] =	vst v63  }
0xcc: {  	_ = 	snop  }
0xcd: {  	[hbm4b:s5+s2] =	stream.indirect_vreg.scatter [tilespmem:s11], [sflag:$0x1], $0x80, v4, vm0, $0xb8;
	[tilespmem:$0x18080] =	vst v63  }
0xce: {  	_ = 	snop  }
0xcf: {  	[hbm4b:s3+s2] =	stream.indirect_vreg.scatter [tilespmem:s12], [sflag:$0x1], $0x80, v3, vm0, $0xb8;
	[tilespmem:$0x18080] =	vst v63  }
0xd0: {  	_ = 	snop  }
0xd1: {  	[hbm4b:s4+s2] =	stream.indirect_vreg.scatter [tilespmem:s13], [sflag:$0x1], $0x80, v3, vm0, $0xb8;
	[tilespmem:$0x18080] =	vst v63  }
0xd2: {  	_ = 	snop  }
0xd3: {  	[hbm4b:s5+s2] =	stream.indirect_vreg.scatter [tilespmem:s14], [sflag:$0x1], $0x80, v3, vm0, $0xb8;
	[tilespmem:$0x18080] =	vst v63  }
0xd4: {  	v3 =	vld [tilespmem:$0x10];
	_ =	sdelay $0x4  }
0xd5: {  	v57 =	vshrl.u32 v3, $0x3  }
0xd6: {  	v4 =	vmul.u32 $0x30, v57  }
0xd7: {  	v3 =	vand.u32 $0x7, v3  }
0xd8: {  	v3 =	vor.u32 v3, v4  }
0xd9: {  	v4 =	vperm.xlane v3, v0;
	_ =	sdelay $0x1  }
0xda: {  	v4 =	vadd.s32 v1, v4;
	_ =	sdelay $0x3  }
0xdb: {  	v3 =	vperm.xlane v3, v2  }
0xdc: {  	[hbm4b:s3+s2] =	stream.indirect_vreg.scatter [tilespmem:s15], [sflag:$0x1], $0x80, v4, vm0, $0xb8;
	[tilespmem:$0x18080] =	vst v63  }
0xdd: {  	v3 =	vadd.s32 v1, v3  }
0xde: {  	[hbm4b:s4+s2] =	stream.indirect_vreg.scatter [tilespmem:s16], [sflag:$0x1], $0x80, v4, vm0, $0xb8;
	[tilespmem:$0x18080] =	vst v63  }
0xdf: {  	_ = 	snop  }
0xe0: {  	[hbm4b:s5+s2] =	stream.indirect_vreg.scatter [tilespmem:s17], [sflag:$0x1], $0x80, v4, vm0, $0xb8;
	[tilespmem:$0x18080] =	vst v63  }
0xe1: {  	_ = 	snop  }
0xe2: {  	[hbm4b:s3+s2] =	stream.indirect_vreg.scatter [tilespmem:s18], [sflag:$0x1], $0x80, v3, vm0, $0xb8;
	[tilespmem:$0x18080] =	vst v63  }
0xe3: {  	_ = 	snop  }
0xe4: {  	[hbm4b:s4+s2] =	stream.indirect_vreg.scatter [tilespmem:s19], [sflag:$0x1], $0x80, v3, vm0, $0xb8;
	[tilespmem:$0x18080] =	vst v63  }
0xe5: {  	_ = 	snop  }
0xe6: {  	[hbm4b:s5+s2] =	stream.indirect_vreg.scatter [tilespmem:s20], [sflag:$0x1], $0x80, v3, vm0, $0xb8;
	[tilespmem:$0x18080] =	vst v63  }
0xe7: {  	v3 =	vld [tilespmem:$0x20];
	_ =	sdelay $0x4  }
0xe8: {  	v58 =	vshrl.u32 v3, $0x3  }
0xe9: {  	v4 =	vmul.u32 $0x30, v58  }
0xea: {  	v3 =	vand.u32 $0x7, v3  }
0xeb: {  	v3 =	vor.u32 v3, v4  }
0xec: {  	v4 =	vperm.xlane v3, v0;
	_ =	sdelay $0x1  }
0xed: {  	v4 =	vadd.s32 v1, v4;
	_ =	sdelay $0x3  }
0xee: {  	v3 =	vperm.xlane v3, v2  }
0xef: {  	[hbm4b:s3+s2] =	stream.indirect_vreg.scatter [tilespmem:s21], [sflag:$0x1], $0x80, v4, vm0, $0xb8;
	[tilespmem:$0x18080] =	vst v63  }
0xf0: {  	v3 =	vadd.s32 v1, v3  }
0xf1: {  	[hbm4b:s4+s2] =	stream.indirect_vreg.scatter [tilespmem:s22], [sflag:$0x1], $0x80, v4, vm0, $0xb8;
	[tilespmem:$0x18080] =	vst v63  }
0xf2: {  	_ = 	snop  }
0xf3: {  	[hbm4b:s5+s2] =	stream.indirect_vreg.scatter [tilespmem:s23], [sflag:$0x1], $0x80, v4, vm0, $0xb8;
	[tilespmem:$0x18080] =	vst v63  }
0xf4: {  	_ = 	snop  }
0xf5: {  	[hbm4b:s3+s2] =	stream.indirect_vreg.scatter [tilespmem:s24], [sflag:$0x1], $0x80, v3, vm0, $0xb8;
	[tilespmem:$0x18080] =	vst v63  }
0xf6: {  	_ = 	snop  }
0xf7: {  	[hbm4b:s4+s2] =	stream.indirect_vreg.scatter [tilespmem:s25], [sflag:$0x1], $0x80, v3, vm0, $0xb8;
	[tilespmem:$0x18080] =	vst v63  }
0xf8: {  	_ = 	snop  }
0xf9: {  	[hbm4b:s5+s2] =	stream.indirect_vreg.scatter [tilespmem:s26], [sflag:$0x1], $0x80, v3, vm0, $0xb8;
	[tilespmem:$0x18080] =	vst v63  }
0xfa: {  	v3 =	vld [tilespmem:$0x30];
	_ =	sdelay $0x4  }
0xfb: {  	v59 =	vshrl.u32 v3, $0x3  }
0xfc: {  	v4 =	vmul.u32 $0x30, v59  }
0xfd: {  	v3 =	vand.u32 $0x7, v3  }
0xfe: {  	v3 =	vor.u32 v3, v4  }
0xff: {  	v4 =	vperm.xlane v3, v0;
	_ =	sdelay $0x1  }
0x100: {  	v4 =	vadd.s32 v1, v4;
	_ =	sdelay $0x3  }
0x101: {  	v3 =	vperm.xlane v3, v2  }
0x102: {  	[hbm4b:s3+s2] =	stream.indirect_vreg.scatter [tilespmem:s28], [sflag:$0x1], $0x80, v4, vm0, $0xb8;
	[tilespmem:$0x18080] =	vst v63  }
0x103: {  	v3 =	vadd.s32 v1, v3  }
0x104: {  	[hbm4b:s4+s2] =	stream.indirect_vreg.scatter [tilespmem:s29], [sflag:$0x1], $0x80, v4, vm0, $0xb8;
	[tilespmem:$0x18080] =	vst v63  }
0x105: {  	_ = 	snop  }
0x106: {  	[hbm4b:s5+s2] =	stream.indirect_vreg.scatter [tilespmem:s30], [sflag:$0x1], $0x80, v4, vm0, $0xb8;
	[tilespmem:$0x18080] =	vst v63  }
0x107: {  	_ = 	snop  }
0x108: {  	[hbm4b:s3+s2] =	stream.indirect_vreg.scatter [tilespmem:s31], [sflag:$0x1], $0x80, v3, vm0, $0xb8;
	[tilespmem:$0x18080] =	vst v63  }
0x109: {  	s9 =	simm.s32 $0xB080  }
0x10a: {  	[hbm4b:s4+s2] =	stream.indirect_vreg.scatter [tilespmem:s9], [sflag:$0x1], $0x80, v3, vm0, $0xb8;
	[tilespmem:$0x18080] =	vst v63  }
0x10b: {  	_ = 	snop  }
0x10c: {  	[hbm4b:s5+s2] =	stream.indirect_vreg.scatter [tilespmem:s8], [sflag:$0x1], $0x80, v3, vm0, $0xb8;
	[tilespmem:$0x18080] =	vst v63  }
0x10d: {  	v3 =	vld [tilespmem:$0x40];
	_ =	sdelay $0x4  }
0x10e: {  	v60 =	vshrl.u32 v3, $0x3  }
0x10f: {  	v4 =	vmul.u32 $0x30, v60  }
0x110: {  	v3 =	vand.u32 $0x7, v3  }
0x111: {  	v3 =	vor.u32 v3, v4  }
0x112: {  	v4 =	vperm.xlane v3, v0;
	_ =	sdelay $0x1  }
0x113: {  	v4 =	vadd.s32 v1, v4;
	_ =	sdelay $0x3  }
0x114: {  	s8 =	simm.s32 $0xC080;
	v3 =	vperm.xlane v3, v2  }
0x115: {  	[hbm4b:s3+s2] =	stream.indirect_vreg.scatter [tilespmem:s8], [sflag:$0x1], $0x80, v4, vm0, $0xb8;
	[tilespmem:$0x18080] =	vst v63  }
0x116: {  	s9 =	simm.s32 $0xC880;
	v3 =	vadd.s32 v1, v3  }
0x117: {  	[hbm4b:s4+s2] =	stream.indirect_vreg.scatter [tilespmem:s9], [sflag:$0x1], $0x80, v4, vm0, $0xb8;
	[tilespmem:$0x18080] =	vst v63  }
0x118: {  	s8 =	simm.s32 $0xD080  }
0x119: {  	[hbm4b:s5+s2] =	stream.indirect_vreg.scatter [tilespmem:s8], [sflag:$0x1], $0x80, v4, vm0, $0xb8;
	[tilespmem:$0x18080] =	vst v63  }
0x11a: {  	s9 =	simm.s32 $0xD880  }
0x11b: {  	[hbm4b:s3+s2] =	stream.indirect_vreg.scatter [tilespmem:s9], [sflag:$0x1], $0x80, v3, vm0, $0xb8;
	[tilespmem:$0x18080] =	vst v63  }
0x11c: {  	s8 =	simm.s32 $0xE080  }
0x11d: {  	[hbm4b:s4+s2] =	stream.indirect_vreg.scatter [tilespmem:s8], [sflag:$0x1], $0x80, v3, vm0, $0xb8;
	[tilespmem:$0x18080] =	vst v63  }
0x11e: {  	s9 =	simm.s32 $0xE880  }
0x11f: {  	[hbm4b:s5+s2] =	stream.indirect_vreg.scatter [tilespmem:s9], [sflag:$0x1], $0x80, v3, vm0, $0xb8;
	[tilespmem:$0x18080] =	vst v63  }
0x120: {  	v3 =	vld [tilespmem:$0x50];
	_ =	sdelay $0x4  }
0x121: {  	v61 =	vshrl.u32 v3, $0x3  }
0x122: {  	v4 =	vmul.u32 $0x30, v61  }
0x123: {  	v3 =	vand.u32 $0x7, v3  }
0x124: {  	v3 =	vor.u32 v3, v4  }
0x125: {  	v4 =	vperm.xlane v3, v0;
	_ =	sdelay $0x1  }
0x126: {  	v4 =	vadd.s32 v1, v4;
	_ =	sdelay $0x3  }
0x127: {  	s8 =	simm.s32 $0xF080;
	v3 =	vperm.xlane v3, v2  }
0x128: {  	[hbm4b:s3+s2] =	stream.indirect_vreg.scatter [tilespmem:s8], [sflag:$0x1], $0x80, v4, vm0, $0xb8;
	[tilespmem:$0x18080] =	vst v63  }
0x129: {  	s9 =	simm.s32 $0xF880;
	v3 =	vadd.s32 v1, v3  }
0x12a: {  	[hbm4b:s4+s2] =	stream.indirect_vreg.scatter [tilespmem:s9], [sflag:$0x1], $0x80, v4, vm0, $0xb8;
	[tilespmem:$0x18080] =	vst v63  }
0x12b: {  	s8 =	simm.s32 $0x10080  }
0x12c: {  	[hbm4b:s5+s2] =	stream.indirect_vreg.scatter [tilespmem:s8], [sflag:$0x1], $0x80, v4, vm0, $0xb8;
	[tilespmem:$0x18080] =	vst v63  }
0x12d: {  	s9 =	simm.s32 $0x10880  }
0x12e: {  	[hbm4b:s3+s2] =	stream.indirect_vreg.scatter [tilespmem:s9], [sflag:$0x1], $0x80, v3, vm0, $0xb8;
	[tilespmem:$0x18080] =	vst v63  }
0x12f: {  	s8 =	simm.s32 $0x11080  }
0x130: {  	[hbm4b:s4+s2] =	stream.indirect_vreg.scatter [tilespmem:s8], [sflag:$0x1], $0x80, v3, vm0, $0xb8;
	[tilespmem:$0x18080] =	vst v63  }
0x131: {  	s9 =	simm.s32 $0x11880  }
0x132: {  	[hbm4b:s5+s2] =	stream.indirect_vreg.scatter [tilespmem:s9], [sflag:$0x1], $0x80, v3, vm0, $0xb8;
	[tilespmem:$0x18080] =	vst v63  }
0x133: {  	v3 =	vld [tilespmem:$0x60];
	_ =	sdelay $0x4  }
0x134: {  	v62 =	vshrl.u32 v3, $0x3  }
0x135: {  	v4 =	vmul.u32 $0x30, v62  }
0x136: {  	v3 =	vand.u32 $0x7, v3  }
0x137: {  	v3 =	vor.u32 v3, v4  }
0x138: {  	v4 =	vperm.xlane v3, v0;
	_ =	sdelay $0x1  }
0x139: {  	v4 =	vadd.s32 v1, v4;
	_ =	sdelay $0x3  }
0x13a: {  	s8 =	simm.s32 $0x12080;
	v3 =	vperm.xlane v3, v2  }
0x13b: {  	[hbm4b:s3+s2] =	stream.indirect_vreg.scatter [tilespmem:s8], [sflag:$0x1], $0x80, v4, vm0, $0xb8;
	[tilespmem:$0x18080] =	vst v63  }
0x13c: {  	s9 =	simm.s32 $0x12880;
	v3 =	vadd.s32 v1, v3  }
0x13d: {  	[hbm4b:s4+s2] =	stream.indirect_vreg.scatter [tilespmem:s9], [sflag:$0x1], $0x80, v4, vm0, $0xb8;
	[tilespmem:$0x18080] =	vst v63  }
0x13e: {  	s8 =	simm.s32 $0x13080  }
0x13f: {  	[hbm4b:s5+s2] =	stream.indirect_vreg.scatter [tilespmem:s8], [sflag:$0x1], $0x80, v4, vm0, $0xb8;
	[tilespmem:$0x18080] =	vst v63  }
0x140: {  	s9 =	simm.s32 $0x13880  }
0x141: {  	[hbm4b:s3+s2] =	stream.indirect_vreg.scatter [tilespmem:s9], [sflag:$0x1], $0x80, v3, vm0, $0xb8;
	[tilespmem:$0x18080] =	vst v63  }
0x142: {  	s8 =	simm.s32 $0x14080  }
0x143: {  	[hbm4b:s4+s2] =	stream.indirect_vreg.scatter [tilespmem:s8], [sflag:$0x1], $0x80, v3, vm0, $0xb8;
	[tilespmem:$0x18080] =	vst v63  }
0x144: {  	s9 =	simm.s32 $0x14880  }
0x145: {  	[hbm4b:s5+s2] =	stream.indirect_vreg.scatter [tilespmem:s9], [sflag:$0x1], $0x80, v3, vm0, $0xb8;
	[tilespmem:$0x18080] =	vst v63  }
0x146: {  	v3 =	vld [tilespmem:$0x70];
	_ =	sdelay $0x4  }
0x147: {  	v63 =	vshrl.u32 v3, $0x3  }
0x148: {  	v4 =	vmul.u32 $0x30, v63  }
0x149: {  	v3 =	vand.u32 $0x7, v3  }
0x14a: {  	v3 =	vor.u32 v3, v4  }
0x14b: {  	v4 =	vperm.xlane v3, v0;
	_ =	sdelay $0x1  }
0x14c: {  	v4 =	vadd.s32 v1, v4;
	_ =	sdelay $0x3  }
0x14d: {  	s8 =	simm.s32 $0x15080;
	v3 =	vperm.xlane v3, v2  }
0x14e: {  	[hbm4b:s3+s2] =	stream.indirect_vreg.scatter [tilespmem:s8], [sflag:$0x1], $0x80, v4, vm0, $0xb8;
	[tilespmem:$0x18080] =	vst v63  }
0x14f: {  	s9 =	simm.s32 $0x15880;
	v3 =	vadd.s32 v1, v3  }
0x150: {  	[hbm4b:s4+s2] =	stream.indirect_vreg.scatter [tilespmem:s9], [sflag:$0x1], $0x80, v4, vm0, $0xb8;
	[tilespmem:$0x18080] =	vst v63  }
0x151: {  	s8 =	simm.s32 $0x16080  }
0x152: {  	[hbm4b:s5+s2] =	stream.indirect_vreg.scatter [tilespmem:s8], [sflag:$0x1], $0x80, v4, vm0, $0xb8;
	[tilespmem:$0x18080] =	vst v63  }
0x153: {  	s9 =	simm.s32 $0x16880  }
0x154: {  	[hbm4b:s3+s2] =	stream.indirect_vreg.scatter [tilespmem:s9], [sflag:$0x1], $0x80, v3, vm0, $0xb8;
	[tilespmem:$0x18080] =	vst v63  }
0x155: {  	p0 =	sne.s32 s6, $0x1;
	s8 =	simm.s32 $0x17080  }
0x156: {  	[hbm4b:s4+s2] =	stream.indirect_vreg.scatter [tilespmem:s8], [sflag:$0x1], $0x80, v3, vm0, $0xb8;
	[tilespmem:$0x18080] =	vst v63  }
.Ltmp0:
0x157: {  	s9 =	simm.s32 $0x17880;
	(pc) =	sbr.rel @p0 .LBB2_1-.Ltmp0, $4  }
0x158: {  	[hbm4b:s5+s2] =	stream.indirect_vreg.scatter [tilespmem:s9], [sflag:$0x1], $0x80, v3, vm0, $0xb8;
	[tilespmem:$0x18080] =	vst v63  }
0x159: {  	_ =	swait.ge [sflag:s1], $0x18000  }
0x15a: {  	[sflag:s1] =	ssyncset.done $0x0  }
0x15b: {  	s6 =	sadd.s32 $0xFFFFFFFF, s6;
	[sflag:s1] =	ssyncadd.s32 $0xFFFE8000  }
0x15c: {  	_ =	sfence.sel $0x180000  }
0x15d: {  	[bflag:$0x0] =	sbarrier.arrive $0xFFFF  }
0x15e: {  	_ =	strace $0x90000047  }
0x15f: {  	s0 =	stileid.u32;
	[bflag:$0x2] =	sbarrier.arrive $0xFFFF  }
0x160: {  	p0 =	sne.s32 s0, $0x0;
	s0 =	rddreg [dreg:$0x2]  }
0x161: {  	s0 =	sadd.s32 @!p0 $0x100000, s0  }
0x162: {  	[sflag:s0] =	ssyncadd.tile.s32 @!p0 $0x1;
	_ =	shalt  }
.Lfunc_end2:
_tile_overlayer_lowered:
.L_overlay_start_2:
0x163: {  	(tag) =	ssettag $0x2  }
0x164: {  	s0 =	rddreg [dreg:$0x0];
	s2 =	stileid.u32  }
0x165: {  	s1 =	rddreg [dreg:$0x1];
	p0 =	sne.s32 s2, $0x0  }
0x166: {  	s3 =	rddreg [dreg:$0x2];
	[bflag:$0x3] =	sbarrier.arrive $0xFFFF;
	s2 =	simm.s32 @!p0 $0x1C02  }
0x167: {  	[timem:s3], [sflag:s2] =	dma.local @!p0 [hbm:s0], s1  }
0x168: {  	s0 =	simm.s32 @!p0 $0x2  }
0x169: {  	_ =	swait.ge @!p0 [sflag:s0], s1  }
0x16a: {  	s1 =	ssub.s32 @!p0 $0x0, s1;
	[sflag:s0] =	ssyncset.done @!p0 $0x0  }
0x16b: {  	[sflag:s0] =	ssyncadd.s32 @!p0 s1  }
0x16c: {  	[bflag:$0x3] =	sbarrier.arrive $0xFFFF  }
0x16d: {  	_ =	shalt  }

// kernel: kernel.9.cloned.1.call-start
scs
__scs_entry_jumppad:
0x0: {  	(pc) =	sbr.rel $0x88, $3  }
0x1: {  	(tag) =	ssettag $0x0;
	lr =	simm.s32 $0x1  }
0x2: {  	[smem:$0x3F9D] =	sst lr;
	_ =	strace $0xD0000000  }
0x3: {  	_ = 	snop  }
0x4: {  	_ = 	snop  }
0x5: {  	_ = 	snop  }
0x6: {  	_ = 	snop  }
0x7: {  	_ = 	snop  }
__scs_overlays_trampoline_lowered:
0x8: {  	[smem:$0x3FAC] =	sst s0  }
0x9: {  	[smem:$0x3FAD] =	sst s1  }
0xa: {  	[smem:$0x3FAE] =	sst s2  }
0xb: {  	[smem:$0x3FAF] =	sst s3  }
0xc: {  	[smem:$0x3FB0] =	sst s4  }
0xd: {  	[smem:$0x3FB1] =	sst s5  }
0xe: {  	[smem:$0x3FB2] =	sst s6  }
0xf: {  	[smem:$0x3FB3] =	sst s7  }
0x10: {  	[smem:$0x3FB4] =	sst s8  }
0x11: {  	[smem:$0x3FB5] =	sst s9;
	s0 =	simm.s32 @!p0 $0x0  }
0x12: {  	s1 =	sld [smem:$0x3F9B];
	s0 =	simm.s32 @p0 $0x1  }
0x13: {  	[smem:$0x3FB6] =	sst s0;
	s0 =	simm.s32 @!p1 $0x0  }
0x14: {  	s2 =	sld [smem:$0x3F9A];
	s0 =	simm.s32 @p1 $0x1  }
0x15: {  	[smem:$0x3FB7] =	sst s0;
	s0 =	simm.s32 @!p2 $0x0  }
0x16: {  	s3 =	sld [smem:$0x3FDB];
	s0 =	simm.s32 @p2 $0x1  }
0x17: {  	s4 =	simm.s32 $0x1BF5;
	[smem:$0x3FB9] =	sst s0  }
0x18: {  	s0 =	sld [smem:$0x3F9C];
	_ =	swait.ge [sflag:s4], $0x0  }
0x19: {  	s7 =	sld [smem:$0x3F9D]  }
0x1a: {  	s8 =	sadd.s32 $0xFFFFE003, lr  }
0x1b: {  	s9 =	sadd.s32 $0xFFFFFEF7, lr;
	s5 =	simm.s32 $0xFFFFFFFF;
	p2 =	slt.u32 s8, $0xFFFFF086  }
0x1c: {  	p1 =	slt.u32 s9, $0xF7A;
	s5 =	simm.s32 @!p2 $0x0  }
0x1d: {  	s5 =	simm.s32 @p1 $0x1;
	p0 =	seq.s32 s7, s2  }
0x1e: {  	s7 =	smul.u32 @!p0 $0xF7A, s2;
	p2 =	seq.s32 @!p0 s5, $0x0  }
0x1f: {  	s9 =	smul.u32 $0xF7A, s1;
	s8 =	simm.s32 @!p0 $0x1BF5;
	p2 =	por !p2, p0  }
0x20: {  	[sflag:s8] =	ssyncset.s32 @!p0 $0xFFFFF086;
	s6 =	sadd.s32 @!p0 s3, s7;
	s7 =	simm.s32 @!p0 $0x108  }
0x21: {  	s3 =	sadd.s32 s3, s9;
	s6 =	sadd.s32 @!p0 $0x88, s6;
	s7 =	simm.s32 @p2 $0x1082  }
0x22: {  	[simem:s7], [sflag:s8] =	dma.local @!p0 [hbm:s6], $0xF7A  }
0x23: {  	s9 =	sor.u32 $0xD0000000, s2;
	s6 =	simm.s32 $0x108;
	_ =	swait.ge @!p0 [sflag:s8], $0x0  }
0x24: {  	s3 =	sadd.s32 $0x88, s3;
	s6 =	simm.s32 @!p1 $0x1082;
	[sflag:s4] =	ssyncset.s32 $0xFFFFF086  }
0x25: {  	[simem:s6], [sflag:s4] =	dma.local [hbm:s3], $0xF7A  }
0x26: {  	[smem:$0x3F9D] =	sst s1;
	(tag) =	ssettag s2;
	_ =	strace s9  }
0x27: {  	s1 =	sld [smem:$0x3FAD]  }
0x28: {  	s2 =	sld [smem:$0x3FAE]  }
0x29: {  	s4 =	sld [smem:$0x3FB0]  }
0x2a: {  	p0 =	seq.s32 s5, $0x0;
	s5 =	sld [smem:$0x3FB1]  }
0x2b: {  	s6 =	sld [smem:$0x3FB2]  }
0x2c: {  	s7 =	sld [smem:$0x3FB3]  }
0x2d: {  	s3 =	simm.s32 $0x108;
	s8 =	sld [smem:$0x3FB4]  }
0x2e: {  	s3 =	simm.s32 @!p0 $0x1082;
	s9 =	sld [smem:$0x3FB5]  }
0x2f: {  	lr =	sadd.s32 s0, s3;
	s0 =	sld [smem:$0x3FAC]  }
0x30: {  	s3 =	sld [smem:$0x3FAF]  }
0x31: {  	[smem:$0x3FB8] =	sst s10  }
0x32: {  	s10 =	sld [smem:$0x3FB6];
	_ =	sdelay $0x3  }
0x33: {  	p0 =	seq.s32 s10, $0x1;
	s10 =	sld [smem:$0x3FB8];
	_ =	sdelay $0x3  }
0x34: {  	[smem:$0x3FB8] =	sst s10  }
0x35: {  	s10 =	sld [smem:$0x3FB7];
	_ =	sdelay $0x3  }
0x36: {  	p1 =	seq.s32 s10, $0x1;
	s10 =	sld [smem:$0x3FB8];
	_ =	sdelay $0x3  }
0x37: {  	[smem:$0x3FB8] =	sst s10  }
0x38: {  	s10 =	sld [smem:$0x3FB9]  }
0x39: {  	_ = 	snop;
	(pc) =	sbr.ind lr, $3  }
0x3a: {  	_ = 	snop  }
0x3b: {  	_ = 	snop  }
0x3c: {  	p2 =	seq.s32 s10, $0x1;
	s10 =	sld [smem:$0x3FB8]  }
0x3d: {  	_ =	shalt  }
0x3e: {  	_ =	shalt  }
0x3f: {  	_ =	shalt  }
0x40: {  	_ =	shalt  }
0x41: {  	_ =	shalt  }
0x42: {  	_ =	shalt  }
0x43: {  	_ =	shalt  }
0x44: {  	_ =	shalt  }
0x45: {  	_ =	shalt  }
0x46: {  	_ =	shalt  }
0x47: {  	_ =	shalt  }
0x48: {  	_ =	shalt  }
0x49: {  	_ =	shalt  }
0x4a: {  	_ =	shalt  }
0x4b: {  	_ =	shalt  }
0x4c: {  	_ =	shalt  }
0x4d: {  	_ =	shalt  }
0x4e: {  	_ =	shalt  }
0x4f: {  	_ =	shalt  }
0x50: {  	_ =	shalt  }
0x51: {  	_ =	shalt  }
0x52: {  	_ =	shalt  }
0x53: {  	_ =	shalt  }
0x54: {  	_ =	shalt  }
0x55: {  	_ =	shalt  }
0x56: {  	_ =	shalt  }
0x57: {  	_ =	shalt  }
0x58: {  	_ =	shalt  }
0x59: {  	_ =	shalt  }
0x5a: {  	_ =	shalt  }
0x5b: {  	_ =	shalt  }
0x5c: {  	_ =	shalt  }
0x5d: {  	_ =	shalt  }
0x5e: {  	_ =	shalt  }
0x5f: {  	_ =	shalt  }
0x60: {  	_ =	shalt  }
0x61: {  	_ =	shalt  }
0x62: {  	_ =	shalt  }
0x63: {  	_ =	shalt  }
0x64: {  	_ =	shalt  }
0x65: {  	_ =	shalt  }
0x66: {  	_ =	shalt  }
0x67: {  	_ =	shalt  }
0x68: {  	_ =	shalt  }
0x69: {  	_ =	shalt  }
0x6a: {  	_ =	shalt  }
0x6b: {  	_ =	shalt  }
0x6c: {  	_ =	shalt  }
0x6d: {  	_ =	shalt  }
0x6e: {  	_ =	shalt  }
0x6f: {  	_ =	shalt  }
0x70: {  	_ =	shalt  }
0x71: {  	_ =	shalt  }
0x72: {  	_ =	shalt  }
0x73: {  	_ =	shalt  }
0x74: {  	_ =	shalt  }
0x75: {  	_ =	shalt  }
0x76: {  	_ =	shalt  }
0x77: {  	_ =	shalt  }
0x78: {  	_ =	shalt  }
0x79: {  	_ =	shalt  }
0x7a: {  	_ =	shalt  }
0x7b: {  	_ =	shalt  }
0x7c: {  	_ =	shalt  }
0x7d: {  	_ =	shalt  }
0x7e: {  	_ =	shalt  }
0x7f: {  	_ =	shalt  }
0x80: {  	_ =	shalt  }
0x81: {  	_ =	shalt  }
0x82: {  	_ =	shalt  }
0x83: {  	_ =	shalt  }
0x84: {  	_ =	shalt  }
0x85: {  	_ =	shalt  }
0x86: {  	_ =	shalt  }
0x87: {  	_ =	shalt  }
.Lfunc_end0:
.L_simem_size_0:
called_computation.1_lowered:
.L_overlay_start_0:
0x88: {  	s2 =	sld [smem:$0x3FD9]  }
0x89: {  	s3 =	sld [smem:$0x3FFE];
	_ =	sdelay $0x1  }
0x8a: {  	s1 =	srdreg.scid  }
0x8b: {  	s0 =	sand.u32 $0x1, s1  }
0x8c: {  	s17 =	sshll.u32 s0, $0xA;
	s2 =	sadd.s32 s3, s2  }
0x8d: {  	s2 =	sadd.s32 s2, s17  }
0x8e: {  	[smem:$0x3FC4] =	sst s2  }
0x8f: {  	_ = 	snop  }
0x90: {  	s2 =	sld [smem:$0x3FD0];
	(tm) =	ssettm $0x1  }
0x91: {  	s18 =	sld [smem:$0x3FFB];
	_ =	sdelay $0x3  }
0x92: {  	_ =	strace s18  }
0x93: {  	s3 =	sld [smem:$0x3FFC];
	_ =	sdelay $0x3  }
0x94: {  	_ =	strace s3  }
0x95: {  	s3 =	sld [smem:$0x3FFD];
	_ =	sdelay $0x3  }
0x96: {  	_ =	strace s3  }
0x97: {  	_ =	strace $0x8FFFFFFF  }
0x98: {  	s19 =	sld [smem:$0x3FDB];
	_ =	sdelay $0x1  }
0x99: {  	s4 =	simm.s32 $_scs_section_size  }
0x9a: {  	s5 =	simm.s32 $_size__tile_overlayer_lowered;
	s6 =	simm.s32 $_tile_overlayer_lowered  }
0x9b: {  	s22 =	simm.s32 $0x1BFF;
	s21 =	sshll.u32 s6, $0x1;
	s3 =	sadd.s32 s4, s19  }
0x9c: {  	s7 =	simm.s32 $0x0;
	s20 =	sshll.u32 s5, $0x1;
	s5 =	sadd.s32 s21, s3  }
0x9d: {  	[timem:s7], [sflag:s22] =	dma.local [hbm:s5], s20  }
0x9e: {  	_ =	swait.ge [sflag:s22], s20  }
0x9f: {  	s4 =	ssub.s32 $0x0, s20;
	[sflag:s22] =	ssyncset.done $0x0  }
0xa0: {  	[sflag:s22] =	ssyncadd.s32 s4;
	_ =	sdelay $0x1  }
0xa1: {  	s23 =	simm.s32 $0x1B8B  }
0xa2: {  	_ =	swait.ge [sflag:s23], $0x1  }
0xa3: {  	[sflag:s23] =	ssyncset.done $0x0  }
0xa4: {  	s25 =	simm.s32 $0x1B8E;
	s24 =	sld [smem:$0x3FFE];
	[sflag:s23] =	ssyncadd.s32 $0xFFFFFFFF  }
0xa5: {  	s26 =	simm.s32 $execute0_lowered;
	[smem:$0x3FD2] =	sst s25  }
0xa6: {  	s5 =	sshll.u32 s26, $0x1;
	_ =	strace $0x80000049;
	[dreg:$0x1] =	wrdreg $0xFFFFFFFF  }
0xa7: {  	s28 =	simm.s32 $_size_execute0_lowered;
	s3 =	sadd.s32 s3, s5;
	[dreg:$0x0] =	wrdreg $0x0  }
0xa8: {  	s5 =	sshll.u32 s28, $0x1;
	[dreg:$0x2] =	wrdreg s3  }
0xa9: {  	[dreg:$0x3] =	wrdreg s5  }
0xaa: {  	[dreg:$0x4] =	wrdreg $0xC0  }
0xab: {  	_ =	task [dreg:s7], $0x5FFFF  }
0xac: {  	[dreg:$0x1] =	wrdreg $0xFFFFFFFF  }
0xad: {  	[dreg:$0x0] =	wrdreg $0x60  }
0xae: {  	[dreg:$0x2] =	wrdreg s24  }
0xaf: {  	[dreg:$0x3] =	wrdreg s2  }
0xb0: {  	[dreg:$0x4] =	wrdreg $0x9  }
0xb1: {  	_ =	task.clear_ibuf [dreg:s7], $0x5FFFF;
	_ =	strace $0x90000049  }
0xb2: {  	s29 =	simm.s32 $0x9;
	_ =	strace $0x8000004B  }
0xb3: {  	_ =	swait.ge [sflag:s29], $0x1  }
0xb4: {  	[sflag:s29] =	ssyncadd.s32 $0xFFFFFFFF  }
0xb5: {  	_ =	strace $0x9000004B  }
0xb6: {  	_ =	sfence  }
0xb7: {  	s30 =	sld [smem:$0x0];
	_ =	sdelay $0x2  }
0xb8: {  	s31 =	sshll.u32 s1, $0xD;
	s1 =	sshrl.u32 s1, $0x2  }
0xb9: {  	s3 =	sand.u32 $0x4000, s31;
	s1 =	sadd.s32 s1, s30  }
0xba: {  	s0 =	sor.u32 s3, s0;
	s1 =	sshll.u32 s1, $0x11  }
0xbb: {  	s0 =	sor.u32 s1, s0  }
0xbc: {  	s0 =	sadd.s32 $0x8F2B, s0  }
0xbd: {  	[sflag:s0] =	ssyncadd.remote.s32 $0x1  }
0xbe: {  	_ =	sfence.sel $0xFFFF  }
0xbf: {  	[dreg:$0x0] =	wrdreg $0xFFFFFFFF;
	(pc) =	sbr.abs _section_cstart, $3  }
0xc0: {  	[dreg:$0x1] =	wrdreg $0xFFFFFFFF  }
0xc1: {  	_ =	task.clear_ibuf [dreg:s7], $0x2FFFF;
	_ =	strace $0x9FFFFFFF  }
0xc2: {  	(tm) =	ssettm $0x7FFFFFFF  }
0xc3: {  	_ =	shalt  }
tec
execute0_lowered:
.L_overlay_start_1:
0x0: {  	(tag) =	ssettag $0x1  }
0x1: {  	s0 =	srdreg.scid;
	s1 =	rddreg [dreg:$0x0]  }
0x2: {  	s4 =	rddreg [dreg:$0x1];
	s5 =	stileid.u32;
	s10 =	simm.s32 $0x880  }
0x3: {  	s11 =	simm.s32 $0x1080;
	s12 =	simm.s32 $0x1880;
	s13 =	simm.s32 $0x2080  }
0x4: {  	s14 =	simm.s32 $0x2880;
	s15 =	simm.s32 $0x3080;
	s16 =	simm.s32 $0x3880  }
0x5: {  	s17 =	simm.s32 $0x4080;
	s18 =	simm.s32 $0x4880;
	s19 =	simm.s32 $0x5080  }
0x6: {  	s20 =	simm.s32 $0x5880;
	s21 =	simm.s32 $0x6080;
	s22 =	simm.s32 $0x6880  }
0x7: {  	s23 =	simm.s32 $0x7080;
	s24 =	simm.s32 $0x7880;
	s28 =	simm.s32 $0x9080  }
0x8: {  	s29 =	simm.s32 $0x9880;
	s30 =	simm.s32 $0xA080;
	s0 =	sand.u32 $0x1, s0  }
0x9: {  	s31 =	simm.s32 $0xA880;
	s2 =	sshll.u32 s0, $0x4;
	s0 =	ssub.s32 $0x2, s0  }
0xa: {  	s3 =	sor.u32 s5, s2;
	s2 =	simm.s32 $0x0;
	s5 =	sshll.u32 s5, $0x5  }
0xb: {  	s8 =	sshrl.u32 s0, $0x1;
	s6 =	sshll.u32 s3, $0x5;
	s25 =	smul.u32 $0x6000, s3  }
0xc: {  	[smem:$0x7FF] =	sst s2;
	s5 =	sand.u32 $0x20, s5;
	s7 =	smul.u32 $0x30000, s3  }
0xd: {  	s3 =	sadd.s32 $0x60DA00, s1;
	s0 =	ssub.s32 s0, s8;
	s6 =	sand.u32 $0x3C0, s6  }
0xe: {  	s8 =	simm.s32 $0xB880;
	_ =	strace $0x8000004A;
	s5 =	sor.u32 s5, s6  }
0xf: {  	s6 =	sadd.s32 s4, s25;
	s7 =	sshrl.u32 s7, $0x3;
	s25 =	simm.s32 $0x8080  }
0x10: {  	s5 =	sadd.s32 s5, s1;
	[dreg:$0x4] =	wrdreg s6;
	s4 =	sadd.s32 s4, s7  }
0x11: {  	s6 =	smax.u32 s0, $0x1;
	s7 =	simm.s32 $0x2;
	s9 =	sadd.s32 $0x1600, s5  }
0x12: {  	v2 =	vlaneseq.u32;
	s5 =	sadd.s32 $0x1610, s5;
	s26 =	sadd.s32 $0x3000, s4;
	[dreg:$0x3] =	wrdreg s9  }
0x13: {  	vm0 =	vmmov $0xffff;
	v1 =	vshrl.u32 v2, $0x3;
	s4 =	sadd.s32 $0x60DB00, s1;
	[dreg:$0x5] =	wrdreg s5;
	s5 =	sadd.s32 $0x60DC00, s1  }
0x14: {  	v0 =	vand.u32 $0x7, v2;
	v2 =	vor.u32 $0x8, v2;
	v1 =	vmul.u32 $0x8, v1;
	[dreg:$0x6] =	wrdreg s26;
	s1 =	simm.s32 $0x1;
	s26 =	simm.s32 $0x8880  }
.LBB2_1:
0x15: {  	s9 =	rddreg [dreg:$0x3]  }
0x16: {  	[tilespmem:s2], [sflag:$0x2] =	stream.linear.gather [hbm4b:s9+s2], $0x80, $0x38;
	[tilespmem:$0x18080] =	vst v63  }
0x17: {  	_ =	swait.ge [sflag:s7], $0x80  }
0x18: {  	[sflag:s7] =	ssyncset.done $0x0  }
0x19: {  	[sflag:s7] =	ssyncadd.s32 $0xFFFFFF80  }
0x1a: {  	v3 =	vld [tilespmem:$0x0];
	_ =	sdelay $0x4  }
0x1b: {  	v4 =	vshrl.u32 v3, $0x3  }
0x1c: {  	v4 =	vmul.u32 $0x30, v4  }
0x1d: {  	v3 =	vand.u32 $0x7, v3  }
0x1e: {  	v3 =	vor.u32 v3, v4  }
0x1f: {  	v4 =	vperm.xlane v3, v0;
	_ =	sdelay $0x1  }
0x20: {  	v4 =	vadd.s32 v1, v4;
	_ =	sdelay $0x3  }
0x21: {  	s0 =	simm.s32 $0x80;
	v3 =	vperm.xlane v3, v2  }
0x22: {  	[tilespmem:s0], [sflag:$0x1] =	stream.indirect_vreg.gather [hbm4b:s3+s2], $0x80, v4, vm0, $0xb8;
	[tilespmem:$0x18080] =	vst v63  }
0x23: {  	v3 =	vadd.s32 v1, v3  }
0x24: {  	[tilespmem:s10], [sflag:$0x1] =	stream.indirect_vreg.gather [hbm4b:s4+s2], $0x80, v4, vm0, $0xb8;
	[tilespmem:$0x18080] =	vst v63  }
0x25: {  	_ = 	snop  }
0x26: {  	[tilespmem:s11], [sflag:$0x1] =	stream.indirect_vreg.gather [hbm4b:s5+s2], $0x80, v4, vm0, $0xb8;
	[tilespmem:$0x18080] =	vst v63  }
0x27: {  	_ = 	snop  }
0x28: {  	[tilespmem:s12], [sflag:$0x1] =	stream.indirect_vreg.gather [hbm4b:s3+s2], $0x80, v3, vm0, $0xb8;
	[tilespmem:$0x18080] =	vst v63  }
0x29: {  	_ = 	snop  }
0x2a: {  	[tilespmem:s13], [sflag:$0x1] =	stream.indirect_vreg.gather [hbm4b:s4+s2], $0x80, v3, vm0, $0xb8;
	[tilespmem:$0x18080] =	vst v63  }
0x2b: {  	_ = 	snop  }
0x2c: {  	[tilespmem:s14], [sflag:$0x1] =	stream.indirect_vreg.gather [hbm4b:s5+s2], $0x80, v3, vm0, $0xb8;
	[tilespmem:$0x18080] =	vst v63  }
0x2d: {  	v3 =	vld [tilespmem:$0x10];
	_ =	sdelay $0x4  }
0x2e: {  	v49 =	vshrl.u32 v3, $0x3  }
0x2f: {  	v4 =	vmul.u32 $0x30, v49  }
0x30: {  	v3 =	vand.u32 $0x7, v3  }
0x31: {  	v3 =	vor.u32 v3, v4  }
0x32: {  	v4 =	vperm.xlane v3, v0;
	_ =	sdelay $0x1  }
0x33: {  	v4 =	vadd.s32 v1, v4;
	_ =	sdelay $0x3  }
0x34: {  	v3 =	vperm.xlane v3, v2  }
0x35: {  	[tilespmem:s15], [sflag:$0x1] =	stream.indirect_vreg.gather [hbm4b:s3+s2], $0x80, v4, vm0, $0xb8;
	[tilespmem:$0x18080] =	vst v63  }
0x36: {  	v3 =	vadd.s32 v1, v3  }
0x37: {  	[tilespmem:s16], [sflag:$0x1] =	stream.indirect_vreg.gather [hbm4b:s4+s2], $0x80, v4, vm0, $0xb8;
	[tilespmem:$0x18080] =	vst v63  }
0x38: {  	_ = 	snop  }
0x39: {  	[tilespmem:s17], [sflag:$0x1] =	stream.indirect_vreg.gather [hbm4b:s5+s2], $0x80, v4, vm0, $0xb8;
	[tilespmem:$0x18080] =	vst v63  }
0x3a: {  	_ = 	snop  }
0x3b: {  	[tilespmem:s18], [sflag:$0x1] =	stream.indirect_vreg.gather [hbm4b:s3+s2], $0x80, v3, vm0, $0xb8;
	[tilespmem:$0x18080] =	vst v63  }
0x3c: {  	_ = 	snop  }
0x3d: {  	[tilespmem:s19], [sflag:$0x1] =	stream.indirect_vreg.gather [hbm4b:s4+s2], $0x80, v3, vm0, $0xb8;
	[tilespmem:$0x18080] =	vst v63  }
0x3e: {  	_ = 	snop  }
0x3f: {  	[tilespmem:s20], [sflag:$0x1] =	stream.indirect_vreg.gather [hbm4b:s5+s2], $0x80, v3, vm0, $0xb8;
	[tilespmem:$0x18080] =	vst v63  }
0x40: {  	v3 =	vld [tilespmem:$0x20];
	_ =	sdelay $0x4  }
0x41: {  	v50 =	vshrl.u32 v3, $0x3  }
0x42: {  	v4 =	vmul.u32 $0x30, v50  }
0x43: {  	v3 =	vand.u32 $0x7, v3  }
0x44: {  	v3 =	vor.u32 v3, v4  }
0x45: {  	v4 =	vperm.xlane v3, v0;
	_ =	sdelay $0x1  }
0x46: {  	v4 =	vadd.s32 v1, v4;
	_ =	sdelay $0x3  }
0x47: {  	v3 =	vperm.xlane v3, v2  }
0x48: {  	[tilespmem:s21], [sflag:$0x1] =	stream.indirect_vreg.gather [hbm4b:s3+s2], $0x80, v4, vm0, $0xb8;
	[tilespmem:$0x18080] =	vst v63  }
0x49: {  	v3 =	vadd.s32 v1, v3  }
0x4a: {  	[tilespmem:s22], [sflag:$0x1] =	stream.indirect_vreg.gather [hbm4b:s4+s2], $0x80, v4, vm0, $0xb8;
	[tilespmem:$0x18080] =	vst v63  }
0x4b: {  	_ = 	snop  }
0x4c: {  	[tilespmem:s23], [sflag:$0x1] =	stream.indirect_vreg.gather [hbm4b:s5+s2], $0x80, v4, vm0, $0xb8;
	[tilespmem:$0x18080] =	vst v63  }
0x4d: {  	_ = 	snop  }
0x4e: {  	[tilespmem:s24], [sflag:$0x1] =	stream.indirect_vreg.gather [hbm4b:s3+s2], $0x80, v3, vm0, $0xb8;
	[tilespmem:$0x18080] =	vst v63  }
0x4f: {  	_ = 	snop  }
0x50: {  	[tilespmem:s25], [sflag:$0x1] =	stream.indirect_vreg.gather [hbm4b:s4+s2], $0x80, v3, vm0, $0xb8;
	[tilespmem:$0x18080] =	vst v63  }
0x51: {  	_ = 	snop  }
0x52: {  	[tilespmem:s26], [sflag:$0x1] =	stream.indirect_vreg.gather [hbm4b:s5+s2], $0x80, v3, vm0, $0xb8;
	[tilespmem:$0x18080] =	vst v63  }
0x53: {  	v3 =	vld [tilespmem:$0x30];
	_ =	sdelay $0x4  }
0x54: {  	v51 =	vshrl.u32 v3, $0x3  }
0x55: {  	v4 =	vmul.u32 $0x30, v51  }
0x56: {  	v3 =	vand.u32 $0x7, v3  }
0x57: {  	v3 =	vor.u32 v3, v4  }
0x58: {  	v4 =	vperm.xlane v3, v0;
	_ =	sdelay $0x1  }
0x59: {  	v4 =	vadd.s32 v1, v4;
	_ =	sdelay $0x3  }
0x5a: {  	v3 =	vperm.xlane v3, v2  }
0x5b: {  	[tilespmem:s28], [sflag:$0x1] =	stream.indirect_vreg.gather [hbm4b:s3+s2], $0x80, v4, vm0, $0xb8;
	[tilespmem:$0x18080] =	vst v63  }
0x5c: {  	v3 =	vadd.s32 v1, v3  }
0x5d: {  	[tilespmem:s29], [sflag:$0x1] =	stream.indirect_vreg.gather [hbm4b:s4+s2], $0x80, v4, vm0, $0xb8;
	[tilespmem:$0x18080] =	vst v63  }
0x5e: {  	_ = 	snop  }
0x5f: {  	[tilespmem:s30], [sflag:$0x1] =	stream.indirect_vreg.gather [hbm4b:s5+s2], $0x80, v4, vm0, $0xb8;
	[tilespmem:$0x18080] =	vst v63  }
0x60: {  	_ = 	snop  }
0x61: {  	[tilespmem:s31], [sflag:$0x1] =	stream.indirect_vreg.gather [hbm4b:s3+s2], $0x80, v3, vm0, $0xb8;
	[tilespmem:$0x18080] =	vst v63  }
0x62: {  	s9 =	simm.s32 $0xB080  }
0x63: {  	[tilespmem:s9], [sflag:$0x1] =	stream.indirect_vreg.gather [hbm4b:s4+s2], $0x80, v3, vm0, $0xb8;
	[tilespmem:$0x18080] =	vst v63  }
0x64: {  	_ = 	snop  }
0x65: {  	[tilespmem:s8], [sflag:$0x1] =	stream.indirect_vreg.gather [hbm4b:s5+s2], $0x80, v3, vm0, $0xb8;
	[tilespmem:$0x18080] =	vst v63  }
0x66: {  	v3 =	vld [tilespmem:$0x40];
	_ =	sdelay $0x4  }
0x67: {  	v52 =	vshrl.u32 v3, $0x3  }
0x68: {  	v4 =	vmul.u32 $0x30, v52  }
0x69: {  	v3 =	vand.u32 $0x7, v3  }
0x6a: {  	v3 =	vor.u32 v3, v4  }
0x6b: {  	v4 =	vperm.xlane v3, v0;
	_ =	sdelay $0x1  }
0x6c: {  	v4 =	vadd.s32 v1, v4;
	_ =	sdelay $0x3  }
0x6d: {  	s9 =	simm.s32 $0xC080;
	v3 =	vperm.xlane v3, v2  }
0x6e: {  	[tilespmem:s9], [sflag:$0x1] =	stream.indirect_vreg.gather [hbm4b:s3+s2], $0x80, v4, vm0, $0xb8;
	[tilespmem:$0x18080] =	vst v63  }
0x6f: {  	v3 =	vadd.s32 v1, v3;
	s9 =	simm.s32 $0xC880  }
0x70: {  	[tilespmem:s9], [sflag:$0x1] =	stream.indirect_vreg.gather [hbm4b:s4+s2], $0x80, v4, vm0, $0xb8;
	[tilespmem:$0x18080] =	vst v63  }
0x71: {  	s9 =	simm.s32 $0xD080  }
0x72: {  	[tilespmem:s9], [sflag:$0x1] =	stream.indirect_vreg.gather [hbm4b:s5+s2], $0x80, v4, vm0, $0xb8;
	[tilespmem:$0x18080] =	vst v63  }
0x73: {  	s9 =	simm.s32 $0xD880  }
0x74: {  	[tilespmem:s9], [sflag:$0x1] =	stream.indirect_vreg.gather [hbm4b:s3+s2], $0x80, v3, vm0, $0xb8;
	[tilespmem:$0x18080] =	vst v63  }
0x75: {  	s9 =	simm.s32 $0xE080  }
0x76: {  	[tilespmem:s9], [sflag:$0x1] =	stream.indirect_vreg.gather [hbm4b:s4+s2], $0x80, v3, vm0, $0xb8;
	[tilespmem:$0x18080] =	vst v63  }
0x77: {  	s9 =	simm.s32 $0xE880  }
0x78: {  	[tilespmem:s9], [sflag:$0x1] =	stream.indirect_vreg.gather [hbm4b:s5+s2], $0x80, v3, vm0, $0xb8;
	[tilespmem:$0x18080] =	vst v63  }
0x79: {  	v3 =	vld [tilespmem:$0x50];
	_ =	sdelay $0x4  }
0x7a: {  	v53 =	vshrl.u32 v3, $0x3  }
0x7b: {  	v4 =	vmul.u32 $0x30, v53  }
0x7c: {  	v3 =	vand.u32 $0x7, v3  }
0x7d: {  	v3 =	vor.u32 v3, v4  }
0x7e: {  	v4 =	vperm.xlane v3, v0;
	_ =	sdelay $0x1  }
0x7f: {  	v4 =	vadd.s32 v1, v4;
	_ =	sdelay $0x3  }
0x80: {  	s9 =	simm.s32 $0xF080;
	v3 =	vperm.xlane v3, v2  }
0x81: {  	[tilespmem:s9], [sflag:$0x1] =	stream.indirect_vreg.gather [hbm4b:s3+s2], $0x80, v4, vm0, $0xb8;
	[tilespmem:$0x18080] =	vst v63  }
0x82: {  	v3 =	vadd.s32 v1, v3;
	s9 =	simm.s32 $0xF880  }
0x83: {  	[tilespmem:s9], [sflag:$0x1] =	stream.indirect_vreg.gather [hbm4b:s4+s2], $0x80, v4, vm0, $0xb8;
	[tilespmem:$0x18080] =	vst v63  }
0x84: {  	s9 =	simm.s32 $0x10080  }
0x85: {  	[tilespmem:s9], [sflag:$0x1] =	stream.indirect_vreg.gather [hbm4b:s5+s2], $0x80, v4, vm0, $0xb8;
	[tilespmem:$0x18080] =	vst v63  }
0x86: {  	s9 =	simm.s32 $0x10880  }
0x87: {  	[tilespmem:s9], [sflag:$0x1] =	stream.indirect_vreg.gather [hbm4b:s3+s2], $0x80, v3, vm0, $0xb8;
	[tilespmem:$0x18080] =	vst v63  }
0x88: {  	s9 =	simm.s32 $0x11080  }
0x89: {  	[tilespmem:s9], [sflag:$0x1] =	stream.indirect_vreg.gather [hbm4b:s4+s2], $0x80, v3, vm0, $0xb8;
	[tilespmem:$0x18080] =	vst v63  }
0x8a: {  	s9 =	simm.s32 $0x11880  }
0x8b: {  	[tilespmem:s9], [sflag:$0x1] =	stream.indirect_vreg.gather [hbm4b:s5+s2], $0x80, v3, vm0, $0xb8;
	[tilespmem:$0x18080] =	vst v63  }
0x8c: {  	v3 =	vld [tilespmem:$0x60];
	_ =	sdelay $0x4  }
0x8d: {  	v54 =	vshrl.u32 v3, $0x3  }
0x8e: {  	v4 =	vmul.u32 $0x30, v54  }
0x8f: {  	v3 =	vand.u32 $0x7, v3  }
0x90: {  	v3 =	vor.u32 v3, v4  }
0x91: {  	v4 =	vperm.xlane v3, v0;
	_ =	sdelay $0x1  }
0x92: {  	v4 =	vadd.s32 v1, v4;
	_ =	sdelay $0x3  }
0x93: {  	s9 =	simm.s32 $0x12080;
	v3 =	vperm.xlane v3, v2  }
0x94: {  	[tilespmem:s9], [sflag:$0x1] =	stream.indirect_vreg.gather [hbm4b:s3+s2], $0x80, v4, vm0, $0xb8;
	[tilespmem:$0x18080] =	vst v63  }
0x95: {  	v3 =	vadd.s32 v1, v3;
	s9 =	simm.s32 $0x12880  }
0x96: {  	[tilespmem:s9], [sflag:$0x1] =	stream.indirect_vreg.gather [hbm4b:s4+s2], $0x80, v4, vm0, $0xb8;
	[tilespmem:$0x18080] =	vst v63  }
0x97: {  	s9 =	simm.s32 $0x13080  }
0x98: {  	[tilespmem:s9], [sflag:$0x1] =	stream.indirect_vreg.gather [hbm4b:s5+s2], $0x80, v4, vm0, $0xb8;
	[tilespmem:$0x18080] =	vst v63  }
0x99: {  	s9 =	simm.s32 $0x13880  }
0x9a: {  	[tilespmem:s9], [sflag:$0x1] =	stream.indirect_vreg.gather [hbm4b:s3+s2], $0x80, v3, vm0, $0xb8;
	[tilespmem:$0x18080] =	vst v63  }
0x9b: {  	s9 =	simm.s32 $0x14080  }
0x9c: {  	[tilespmem:s9], [sflag:$0x1] =	stream.indirect_vreg.gather [hbm4b:s4+s2], $0x80, v3, vm0, $0xb8;
	[tilespmem:$0x18080] =	vst v63  }
0x9d: {  	s9 =	simm.s32 $0x14880  }
0x9e: {  	[tilespmem:s9], [sflag:$0x1] =	stream.indirect_vreg.gather [hbm4b:s5+s2], $0x80, v3, vm0, $0xb8;
	[tilespmem:$0x18080] =	vst v63  }
0x9f: {  	v3 =	vld [tilespmem:$0x70];
	_ =	sdelay $0x4  }
0xa0: {  	v55 =	vshrl.u32 v3, $0x3  }
0xa1: {  	v4 =	vmul.u32 $0x30, v55  }
0xa2: {  	v3 =	vand.u32 $0x7, v3  }
0xa3: {  	v3 =	vor.u32 v3, v4  }
0xa4: {  	v4 =	vperm.xlane v3, v0;
	_ =	sdelay $0x1  }
0xa5: {  	v4 =	vadd.s32 v1, v4;
	_ =	sdelay $0x3  }
0xa6: {  	s9 =	simm.s32 $0x15080;
	v3 =	vperm.xlane v3, v2  }
0xa7: {  	[tilespmem:s9], [sflag:$0x1] =	stream.indirect_vreg.gather [hbm4b:s3+s2], $0x80, v4, vm0, $0xb8;
	[tilespmem:$0x18080] =	vst v63  }
0xa8: {  	v3 =	vadd.s32 v1, v3;
	s9 =	simm.s32 $0x15880  }
0xa9: {  	[tilespmem:s9], [sflag:$0x1] =	stream.indirect_vreg.gather [hbm4b:s4+s2], $0x80, v4, vm0, $0xb8;
	[tilespmem:$0x18080] =	vst v63  }
0xaa: {  	s9 =	simm.s32 $0x16080  }
0xab: {  	[tilespmem:s9], [sflag:$0x1] =	stream.indirect_vreg.gather [hbm4b:s5+s2], $0x80, v4, vm0, $0xb8;
	[tilespmem:$0x18080] =	vst v63  }
0xac: {  	s9 =	simm.s32 $0x16880  }
0xad: {  	[tilespmem:s9], [sflag:$0x1] =	stream.indirect_vreg.gather [hbm4b:s3+s2], $0x80, v3, vm0, $0xb8;
	[tilespmem:$0x18080] =	vst v63  }
0xae: {  	s9 =	simm.s32 $0x17080  }
0xaf: {  	[tilespmem:s9], [sflag:$0x1] =	stream.indirect_vreg.gather [hbm4b:s4+s2], $0x80, v3, vm0, $0xb8;
	[tilespmem:$0x18080] =	vst v63  }
0xb0: {  	s9 =	simm.s32 $0x17880  }
0xb1: {  	[tilespmem:s9], [sflag:$0x1] =	stream.indirect_vreg.gather [hbm4b:s5+s2], $0x80, v3, vm0, $0xb8;
	[tilespmem:$0x18080] =	vst v63  }
0xb2: {  	_ =	swait.ge [sflag:s1], $0x18000  }
0xb3: {  	[sflag:s1] =	ssyncset.done $0x0  }
0xb4: {  	s0 =	simm.s32 $0x80;
	s9 =	rddreg [dreg:$0x4];
	[sflag:s1] =	ssyncadd.s32 $0xFFFE8000  }
0xb5: {  	[hbm4b:s9+s2] =	stream.linear.scatter [tilespmem:s0], [sflag:$0x2], $0x18000, $0x38;
	[tilespmem:$0x18080] =	vst v63  }
0xb6: {  	_ =	swait.ge [sflag:s7], $0x18000  }
0xb7: {  	[sflag:s7] =	ssyncset.done $0x0  }
0xb8: {  	s9 =	rddreg [dreg:$0x5];
	[sflag:s7] =	ssyncadd.s32 $0xFFFE8000  }
0xb9: {  	[tilespmem:s2], [sflag:$0x2] =	stream.linear.gather [hbm4b:s9+s2], $0x80, $0x38;
	[tilespmem:$0x18080] =	vst v63  }
0xba: {  	_ =	swait.ge [sflag:s7], $0x80  }
0xbb: {  	[sflag:s7] =	ssyncset.done $0x0  }
0xbc: {  	[sflag:s7] =	ssyncadd.s32 $0xFFFFFF80  }
0xbd: {  	v3 =	vld [tilespmem:$0x0];
	_ =	sdelay $0x4  }
0xbe: {  	v56 =	vshrl.u32 v3, $0x3  }
0xbf: {  	v4 =	vmul.u32 $0x30, v56  }
0xc0: {  	v3 =	vand.u32 $0x7, v3  }
0xc1: {  	v3 =	vor.u32 v3, v4  }
0xc2: {  	v4 =	vperm.xlane v3, v0;
	_ =	sdelay $0x1  }
0xc3: {  	v4 =	vadd.s32 v1, v4;
	_ =	sdelay $0x3  }
0xc4: {  	v3 =	vperm.xlane v3, v2  }
0xc5: {  	[tilespmem:s0], [sflag:$0x1] =	stream.indirect_vreg.gather [hbm4b:s3+s2], $0x80, v4, vm0, $0xb8;
	[tilespmem:$0x18080] =	vst v63  }
0xc6: {  	v3 =	vadd.s32 v1, v3  }
0xc7: {  	[tilespmem:s10], [sflag:$0x1] =	stream.indirect_vreg.gather [hbm4b:s4+s2], $0x80, v4, vm0, $0xb8;
	[tilespmem:$0x18080] =	vst v63  }
0xc8: {  	_ = 	snop  }
0xc9: {  	[tilespmem:s11], [sflag:$0x1] =	stream.indirect_vreg.gather [hbm4b:s5+s2], $0x80, v4, vm0, $0xb8;
	[tilespmem:$0x18080] =	vst v63  }
0xca: {  	_ = 	snop  }
0xcb: {  	[tilespmem:s12], [sflag:$0x1] =	stream.indirect_vreg.gather [hbm4b:s3+s2], $0x80, v3, vm0, $0xb8;
	[tilespmem:$0x18080] =	vst v63  }
0xcc: {  	_ = 	snop  }
0xcd: {  	[tilespmem:s13], [sflag:$0x1] =	stream.indirect_vreg.gather [hbm4b:s4+s2], $0x80, v3, vm0, $0xb8;
	[tilespmem:$0x18080] =	vst v63  }
0xce: {  	_ = 	snop  }
0xcf: {  	[tilespmem:s14], [sflag:$0x1] =	stream.indirect_vreg.gather [hbm4b:s5+s2], $0x80, v3, vm0, $0xb8;
	[tilespmem:$0x18080] =	vst v63  }
0xd0: {  	v3 =	vld [tilespmem:$0x10];
	_ =	sdelay $0x4  }
0xd1: {  	v57 =	vshrl.u32 v3, $0x3  }
0xd2: {  	v4 =	vmul.u32 $0x30, v57  }
0xd3: {  	v3 =	vand.u32 $0x7, v3  }
0xd4: {  	v3 =	vor.u32 v3, v4  }
0xd5: {  	v4 =	vperm.xlane v3, v0;
	_ =	sdelay $0x1  }
0xd6: {  	v4 =	vadd.s32 v1, v4;
	_ =	sdelay $0x3  }
0xd7: {  	v3 =	vperm.xlane v3, v2  }
0xd8: {  	[tilespmem:s15], [sflag:$0x1] =	stream.indirect_vreg.gather [hbm4b:s3+s2], $0x80, v4, vm0, $0xb8;
	[tilespmem:$0x18080] =	vst v63  }
0xd9: {  	v3 =	vadd.s32 v1, v3  }
0xda: {  	[tilespmem:s16], [sflag:$0x1] =	stream.indirect_vreg.gather [hbm4b:s4+s2], $0x80, v4, vm0, $0xb8;
	[tilespmem:$0x18080] =	vst v63  }
0xdb: {  	_ = 	snop  }
0xdc: {  	[tilespmem:s17], [sflag:$0x1] =	stream.indirect_vreg.gather [hbm4b:s5+s2], $0x80, v4, vm0, $0xb8;
	[tilespmem:$0x18080] =	vst v63  }
0xdd: {  	_ = 	snop  }
0xde: {  	[tilespmem:s18], [sflag:$0x1] =	stream.indirect_vreg.gather [hbm4b:s3+s2], $0x80, v3, vm0, $0xb8;
	[tilespmem:$0x18080] =	vst v63  }
0xdf: {  	_ = 	snop  }
0xe0: {  	[tilespmem:s19], [sflag:$0x1] =	stream.indirect_vreg.gather [hbm4b:s4+s2], $0x80, v3, vm0, $0xb8;
	[tilespmem:$0x18080] =	vst v63  }
0xe1: {  	_ = 	snop  }
0xe2: {  	[tilespmem:s20], [sflag:$0x1] =	stream.indirect_vreg.gather [hbm4b:s5+s2], $0x80, v3, vm0, $0xb8;
	[tilespmem:$0x18080] =	vst v63  }
0xe3: {  	v3 =	vld [tilespmem:$0x20];
	_ =	sdelay $0x4  }
0xe4: {  	v58 =	vshrl.u32 v3, $0x3  }
0xe5: {  	v4 =	vmul.u32 $0x30, v58  }
0xe6: {  	v3 =	vand.u32 $0x7, v3  }
0xe7: {  	v3 =	vor.u32 v3, v4  }
0xe8: {  	v4 =	vperm.xlane v3, v0;
	_ =	sdelay $0x1  }
0xe9: {  	v4 =	vadd.s32 v1, v4;
	_ =	sdelay $0x3  }
0xea: {  	v3 =	vperm.xlane v3, v2  }
0xeb: {  	[tilespmem:s21], [sflag:$0x1] =	stream.indirect_vreg.gather [hbm4b:s3+s2], $0x80, v4, vm0, $0xb8;
	[tilespmem:$0x18080] =	vst v63  }
0xec: {  	v3 =	vadd.s32 v1, v3  }
0xed: {  	[tilespmem:s22], [sflag:$0x1] =	stream.indirect_vreg.gather [hbm4b:s4+s2], $0x80, v4, vm0, $0xb8;
	[tilespmem:$0x18080] =	vst v63  }
0xee: {  	_ = 	snop  }
0xef: {  	[tilespmem:s23], [sflag:$0x1] =	stream.indirect_vreg.gather [hbm4b:s5+s2], $0x80, v4, vm0, $0xb8;
	[tilespmem:$0x18080] =	vst v63  }
0xf0: {  	_ = 	snop  }
0xf1: {  	[tilespmem:s24], [sflag:$0x1] =	stream.indirect_vreg.gather [hbm4b:s3+s2], $0x80, v3, vm0, $0xb8;
	[tilespmem:$0x18080] =	vst v63  }
0xf2: {  	_ = 	snop  }
0xf3: {  	[tilespmem:s25], [sflag:$0x1] =	stream.indirect_vreg.gather [hbm4b:s4+s2], $0x80, v3, vm0, $0xb8;
	[tilespmem:$0x18080] =	vst v63  }
0xf4: {  	_ = 	snop  }
0xf5: {  	[tilespmem:s26], [sflag:$0x1] =	stream.indirect_vreg.gather [hbm4b:s5+s2], $0x80, v3, vm0, $0xb8;
	[tilespmem:$0x18080] =	vst v63  }
0xf6: {  	v3 =	vld [tilespmem:$0x30];
	_ =	sdelay $0x4  }
0xf7: {  	v59 =	vshrl.u32 v3, $0x3  }
0xf8: {  	v4 =	vmul.u32 $0x30, v59  }
0xf9: {  	v3 =	vand.u32 $0x7, v3  }
0xfa: {  	v3 =	vor.u32 v3, v4  }
0xfb: {  	v4 =	vperm.xlane v3, v0;
	_ =	sdelay $0x1  }
0xfc: {  	v4 =	vadd.s32 v1, v4;
	_ =	sdelay $0x3  }
0xfd: {  	v3 =	vperm.xlane v3, v2  }
0xfe: {  	[tilespmem:s28], [sflag:$0x1] =	stream.indirect_vreg.gather [hbm4b:s3+s2], $0x80, v4, vm0, $0xb8;
	[tilespmem:$0x18080] =	vst v63  }
0xff: {  	v3 =	vadd.s32 v1, v3  }
0x100: {  	[tilespmem:s29], [sflag:$0x1] =	stream.indirect_vreg.gather [hbm4b:s4+s2], $0x80, v4, vm0, $0xb8;
	[tilespmem:$0x18080] =	vst v63  }
0x101: {  	_ = 	snop  }
0x102: {  	[tilespmem:s30], [sflag:$0x1] =	stream.indirect_vreg.gather [hbm4b:s5+s2], $0x80, v4, vm0, $0xb8;
	[tilespmem:$0x18080] =	vst v63  }
0x103: {  	_ = 	snop  }
0x104: {  	[tilespmem:s31], [sflag:$0x1] =	stream.indirect_vreg.gather [hbm4b:s3+s2], $0x80, v3, vm0, $0xb8;
	[tilespmem:$0x18080] =	vst v63  }
0x105: {  	s9 =	simm.s32 $0xB080  }
0x106: {  	[tilespmem:s9], [sflag:$0x1] =	stream.indirect_vreg.gather [hbm4b:s4+s2], $0x80, v3, vm0, $0xb8;
	[tilespmem:$0x18080] =	vst v63  }
0x107: {  	_ = 	snop  }
0x108: {  	[tilespmem:s8], [sflag:$0x1] =	stream.indirect_vreg.gather [hbm4b:s5+s2], $0x80, v3, vm0, $0xb8;
	[tilespmem:$0x18080] =	vst v63  }
0x109: {  	v3 =	vld [tilespmem:$0x40];
	_ =	sdelay $0x4  }
0x10a: {  	v60 =	vshrl.u32 v3, $0x3  }
0x10b: {  	v4 =	vmul.u32 $0x30, v60  }
0x10c: {  	v3 =	vand.u32 $0x7, v3  }
0x10d: {  	v3 =	vor.u32 v3, v4  }
0x10e: {  	v4 =	vperm.xlane v3, v0;
	_ =	sdelay $0x1  }
0x10f: {  	v4 =	vadd.s32 v1, v4;
	_ =	sdelay $0x3  }
0x110: {  	s9 =	simm.s32 $0xC080;
	v3 =	vperm.xlane v3, v2  }
0x111: {  	[tilespmem:s9], [sflag:$0x1] =	stream.indirect_vreg.gather [hbm4b:s3+s2], $0x80, v4, vm0, $0xb8;
	[tilespmem:$0x18080] =	vst v63  }
0x112: {  	v3 =	vadd.s32 v1, v3;
	s9 =	simm.s32 $0xC880  }
0x113: {  	[tilespmem:s9], [sflag:$0x1] =	stream.indirect_vreg.gather [hbm4b:s4+s2], $0x80, v4, vm0, $0xb8;
	[tilespmem:$0x18080] =	vst v63  }
0x114: {  	s9 =	simm.s32 $0xD080  }
0x115: {  	[tilespmem:s9], [sflag:$0x1] =	stream.indirect_vreg.gather [hbm4b:s5+s2], $0x80, v4, vm0, $0xb8;
	[tilespmem:$0x18080] =	vst v63  }
0x116: {  	s9 =	simm.s32 $0xD880  }
0x117: {  	[tilespmem:s9], [sflag:$0x1] =	stream.indirect_vreg.gather [hbm4b:s3+s2], $0x80, v3, vm0, $0xb8;
	[tilespmem:$0x18080] =	vst v63  }
0x118: {  	s9 =	simm.s32 $0xE080  }
0x119: {  	[tilespmem:s9], [sflag:$0x1] =	stream.indirect_vreg.gather [hbm4b:s4+s2], $0x80, v3, vm0, $0xb8;
	[tilespmem:$0x18080] =	vst v63  }
0x11a: {  	s9 =	simm.s32 $0xE880  }
0x11b: {  	[tilespmem:s9], [sflag:$0x1] =	stream.indirect_vreg.gather [hbm4b:s5+s2], $0x80, v3, vm0, $0xb8;
	[tilespmem:$0x18080] =	vst v63  }
0x11c: {  	v3 =	vld [tilespmem:$0x50];
	_ =	sdelay $0x4  }
0x11d: {  	v61 =	vshrl.u32 v3, $0x3  }
0x11e: {  	v4 =	vmul.u32 $0x30, v61  }
0x11f: {  	v3 =	vand.u32 $0x7, v3  }
0x120: {  	v3 =	vor.u32 v3, v4  }
0x121: {  	v4 =	vperm.xlane v3, v0;
	_ =	sdelay $0x1  }
0x122: {  	v4 =	vadd.s32 v1, v4;
	_ =	sdelay $0x3  }
0x123: {  	s9 =	simm.s32 $0xF080;
	v3 =	vperm.xlane v3, v2  }
0x124: {  	[tilespmem:s9], [sflag:$0x1] =	stream.indirect_vreg.gather [hbm4b:s3+s2], $0x80, v4, vm0, $0xb8;
	[tilespmem:$0x18080] =	vst v63  }
0x125: {  	v3 =	vadd.s32 v1, v3;
	s9 =	simm.s32 $0xF880  }
0x126: {  	[tilespmem:s9], [sflag:$0x1] =	stream.indirect_vreg.gather [hbm4b:s4+s2], $0x80, v4, vm0, $0xb8;
	[tilespmem:$0x18080] =	vst v63  }
0x127: {  	s9 =	simm.s32 $0x10080  }
0x128: {  	[tilespmem:s9], [sflag:$0x1] =	stream.indirect_vreg.gather [hbm4b:s5+s2], $0x80, v4, vm0, $0xb8;
	[tilespmem:$0x18080] =	vst v63  }
0x129: {  	s9 =	simm.s32 $0x10880  }
0x12a: {  	[tilespmem:s9], [sflag:$0x1] =	stream.indirect_vreg.gather [hbm4b:s3+s2], $0x80, v3, vm0, $0xb8;
	[tilespmem:$0x18080] =	vst v63  }
0x12b: {  	s9 =	simm.s32 $0x11080  }
0x12c: {  	[tilespmem:s9], [sflag:$0x1] =	stream.indirect_vreg.gather [hbm4b:s4+s2], $0x80, v3, vm0, $0xb8;
	[tilespmem:$0x18080] =	vst v63  }
0x12d: {  	s9 =	simm.s32 $0x11880  }
0x12e: {  	[tilespmem:s9], [sflag:$0x1] =	stream.indirect_vreg.gather [hbm4b:s5+s2], $0x80, v3, vm0, $0xb8;
	[tilespmem:$0x18080] =	vst v63  }
0x12f: {  	v3 =	vld [tilespmem:$0x60];
	_ =	sdelay $0x4  }
0x130: {  	v62 =	vshrl.u32 v3, $0x3  }
0x131: {  	v4 =	vmul.u32 $0x30, v62  }
0x132: {  	v3 =	vand.u32 $0x7, v3  }
0x133: {  	v3 =	vor.u32 v3, v4  }
0x134: {  	v4 =	vperm.xlane v3, v0;
	_ =	sdelay $0x1  }
0x135: {  	v4 =	vadd.s32 v1, v4;
	_ =	sdelay $0x3  }
0x136: {  	s9 =	simm.s32 $0x12080;
	v3 =	vperm.xlane v3, v2  }
0x137: {  	[tilespmem:s9], [sflag:$0x1] =	stream.indirect_vreg.gather [hbm4b:s3+s2], $0x80, v4, vm0, $0xb8;
	[tilespmem:$0x18080] =	vst v63  }
0x138: {  	v3 =	vadd.s32 v1, v3;
	s9 =	simm.s32 $0x12880  }
0x139: {  	[tilespmem:s9], [sflag:$0x1] =	stream.indirect_vreg.gather [hbm4b:s4+s2], $0x80, v4, vm0, $0xb8;
	[tilespmem:$0x18080] =	vst v63  }
0x13a: {  	s9 =	simm.s32 $0x13080  }
0x13b: {  	[tilespmem:s9], [sflag:$0x1] =	stream.indirect_vreg.gather [hbm4b:s5+s2], $0x80, v4, vm0, $0xb8;
	[tilespmem:$0x18080] =	vst v63  }
0x13c: {  	s9 =	simm.s32 $0x13880  }
0x13d: {  	[tilespmem:s9], [sflag:$0x1] =	stream.indirect_vreg.gather [hbm4b:s3+s2], $0x80, v3, vm0, $0xb8;
	[tilespmem:$0x18080] =	vst v63  }
0x13e: {  	s9 =	simm.s32 $0x14080  }
0x13f: {  	[tilespmem:s9], [sflag:$0x1] =	stream.indirect_vreg.gather [hbm4b:s4+s2], $0x80, v3, vm0, $0xb8;
	[tilespmem:$0x18080] =	vst v63  }
0x140: {  	s9 =	simm.s32 $0x14880  }
0x141: {  	[tilespmem:s9], [sflag:$0x1] =	stream.indirect_vreg.gather [hbm4b:s5+s2], $0x80, v3, vm0, $0xb8;
	[tilespmem:$0x18080] =	vst v63  }
0x142: {  	v3 =	vld [tilespmem:$0x70];
	_ =	sdelay $0x4  }
0x143: {  	v63 =	vshrl.u32 v3, $0x3  }
0x144: {  	v4 =	vmul.u32 $0x30, v63  }
0x145: {  	v3 =	vand.u32 $0x7, v3  }
0x146: {  	v3 =	vor.u32 v3, v4  }
0x147: {  	v4 =	vperm.xlane v3, v0;
	_ =	sdelay $0x1  }
0x148: {  	v4 =	vadd.s32 v1, v4;
	_ =	sdelay $0x3  }
0x149: {  	s9 =	simm.s32 $0x15080;
	v3 =	vperm.xlane v3, v2  }
0x14a: {  	[tilespmem:s9], [sflag:$0x1] =	stream.indirect_vreg.gather [hbm4b:s3+s2], $0x80, v4, vm0, $0xb8;
	[tilespmem:$0x18080] =	vst v63  }
0x14b: {  	v3 =	vadd.s32 v1, v3;
	s9 =	simm.s32 $0x15880  }
0x14c: {  	[tilespmem:s9], [sflag:$0x1] =	stream.indirect_vreg.gather [hbm4b:s4+s2], $0x80, v4, vm0, $0xb8;
	[tilespmem:$0x18080] =	vst v63  }
0x14d: {  	s9 =	simm.s32 $0x16080  }
0x14e: {  	[tilespmem:s9], [sflag:$0x1] =	stream.indirect_vreg.gather [hbm4b:s5+s2], $0x80, v4, vm0, $0xb8;
	[tilespmem:$0x18080] =	vst v63  }
0x14f: {  	s9 =	simm.s32 $0x16880  }
0x150: {  	[tilespmem:s9], [sflag:$0x1] =	stream.indirect_vreg.gather [hbm4b:s3+s2], $0x80, v3, vm0, $0xb8;
	[tilespmem:$0x18080] =	vst v63  }
0x151: {  	s9 =	simm.s32 $0x17080  }
0x152: {  	[tilespmem:s9], [sflag:$0x1] =	stream.indirect_vreg.gather [hbm4b:s4+s2], $0x80, v3, vm0, $0xb8;
	[tilespmem:$0x18080] =	vst v63  }
0x153: {  	s9 =	simm.s32 $0x17880  }
0x154: {  	[tilespmem:s9], [sflag:$0x1] =	stream.indirect_vreg.gather [hbm4b:s5+s2], $0x80, v3, vm0, $0xb8;
	[tilespmem:$0x18080] =	vst v63  }
0x155: {  	_ =	swait.ge [sflag:s1], $0x18000  }
0x156: {  	p0 =	sne.s32 s6, $0x1;
	s0 =	simm.s32 $0x80;
	[sflag:s1] =	ssyncset.done $0x0  }
.Ltmp0:
0x157: {  	s9 =	rddreg [dreg:$0x6];
	[sflag:s1] =	ssyncadd.s32 $0xFFFE8000;
	(pc) =	sbr.rel @p0 .LBB2_1-.Ltmp0, $4  }
0x158: {  	[hbm4b:s9+s2] =	stream.linear.scatter [tilespmem:s0], [sflag:$0x2], $0x18000, $0x38;
	[tilespmem:$0x18080] =	vst v63  }
0x159: {  	_ =	swait.ge [sflag:s7], $0x18000  }
0x15a: {  	[sflag:s7] =	ssyncset.done $0x0  }
0x15b: {  	s6 =	sadd.s32 $0xFFFFFFFF, s6;
	[sflag:s7] =	ssyncadd.s32 $0xFFFE8000  }
0x15c: {  	_ =	sfence.sel $0x180000  }
0x15d: {  	[bflag:$0x0] =	sbarrier.arrive $0xFFFF  }
0x15e: {  	_ =	strace $0x9000004A  }
0x15f: {  	s0 =	stileid.u32;
	[bflag:$0x2] =	sbarrier.arrive $0xFFFF  }
0x160: {  	p0 =	sne.s32 s0, $0x0;
	s0 =	rddreg [dreg:$0x2]  }
0x161: {  	s0 =	sadd.s32 @!p0 $0x100000, s0  }
0x162: {  	[sflag:s0] =	ssyncadd.tile.s32 @!p0 $0x1;
	_ =	shalt  }
.Lfunc_end2:
_tile_overlayer_lowered:
.L_overlay_start_2:
0x163: {  	(tag) =	ssettag $0x2  }
0x164: {  	s0 =	rddreg [dreg:$0x0];
	s2 =	stileid.u32  }
0x165: {  	s1 =	rddreg [dreg:$0x1];
	p0 =	sne.s32 s2, $0x0  }
0x166: {  	s3 =	rddreg [dreg:$0x2];
	[bflag:$0x3] =	sbarrier.arrive $0xFFFF;
	s2 =	simm.s32 @!p0 $0x1C02  }
0x167: {  	[timem:s3], [sflag:s2] =	dma.local @!p0 [hbm:s0], s1  }
0x168: {  	s0 =	simm.s32 @!p0 $0x2  }
0x169: {  	_ =	swait.ge @!p0 [sflag:s0], s1  }
0x16a: {  	s1 =	ssub.s32 @!p0 $0x0, s1;
	[sflag:s0] =	ssyncset.done @!p0 $0x0  }
0x16b: {  	[sflag:s0] =	ssyncadd.s32 @!p0 s1  }
0x16c: {  	[bflag:$0x3] =	sbarrier.arrive $0xFFFF  }
0x16d: {  	_ =	shalt  }

</sc_bundles>
